<compile_context>
chip_gen: v7x
topology: tpu7x:2x2x1
jax: 0.10.2.dev20260603
libtpu: 0.0.44.dev20260713+nightly
codegen_flags: <defaults>
</compile_context>

<pallas_src>
import functools

import jax
import jax.numpy as jnp
from jax import lax
from jax.experimental import pallas as pl
from jax.experimental.pallas import tpu as pltpu
from jax.experimental.pallas import tpu_sc as plsc

_H, _W = 3072, 4096
_LUT_SIZE = 4096
_L = 16

_info = plsc.get_sparse_core_info()
_NC, _NS = _info.num_cores, _info.num_subcores
_NW = _NC * _NS
_ROWS_PER_W = _H // _NW
_CR = 8
_NCHUNK = _ROWS_PER_W // _CR
_VECS = _CR * _W // _L


@functools.partial(
    pl.kernel,
    mesh=plsc.VectorSubcoreMesh(core_axis_name="c", subcore_axis_name="s"),
    out_type=jax.ShapeDtypeStruct((_H, _W), jnp.float32),
    scratch_types=[
        pltpu.VMEM((_LUT_SIZE,), jnp.float32),
        pltpu.VMEM((_CR, _W), jnp.float32),
        pltpu.VMEM((_CR, _W), jnp.float32),
        pltpu.VMEM((_CR, _W), jnp.float32),
        pltpu.SemaphoreType.DMA,
        pltpu.SemaphoreType.DMA,
        pltpu.SemaphoreType.DMA,
    ],
    compiler_params=pltpu.CompilerParams(needs_layout_passes=False),
)
def _decompand_sc(x_hbm, lut_hbm, out_hbm, lut_v, b0, b1, b2, s0, s1, s2):
    wid = lax.axis_index("s") * _NC + lax.axis_index("c")
    base = wid * _ROWS_PER_W
    bufs = (b0, b1, b2)
    sems = (s0, s1, s2)

    pltpu.sync_copy(lut_hbm, lut_v)

    @plsc.parallel_loop(0, _LUT_SIZE // _L, unroll=8)
    def _(i):
        v = lut_v[pl.ds(i * _L, _L)]
        lut_v[pl.ds(i * _L, _L)] = jnp.minimum(jnp.maximum(v, 0.0), 1.0)

    def start_in(c, b, sem):
        pltpu.async_copy(x_hbm.at[pl.ds(base + c * _CR, _CR)], b, sem)

    def start_out(c, b, sem):
        pltpu.async_copy(b, out_hbm.at[pl.ds(base + c * _CR, _CR)], sem)

    def wait(b, sem):
        pltpu.make_async_copy(x_hbm.at[pl.ds(base, _CR)], b, sem).wait()

    def compute(xb):
        @plsc.parallel_loop(0, _VECS, unroll=8)
        def _(i):
            r = i >> 8
            col = (i & 255) * _L
            bits = plsc.bitcast(xb[r, pl.ds(col, _L)], jnp.int32)
            idx = jnp.minimum(jnp.maximum(bits, 0), _LUT_SIZE - 1)
            xb[r, pl.ds(col, _L)] = plsc.load_gather(lut_v, [idx])

    start_in(0, bufs[0], sems[0])
    start_in(1, bufs[1], sems[1])
    for c in range(_NCHUNK):
        b, sem = bufs[c % 3], sems[c % 3]
        wait(b, sem)
        compute(b)
        start_out(c, b, sem)
        if c + 2 < _NCHUNK:
            b2, sem2 = bufs[(c - 1) % 3], sems[(c - 1) % 3]
            if c > 0:
                wait(b2, sem2)
            start_in(c + 2, b2, sem2)
    for j in range(3):
        wait(bufs[j], sems[j])


@jax.jit
def kernel(x, lut):
    xf = lax.bitcast_convert_type(x, jnp.float32)
    return _decompand_sc(xf, lut)

# --- scband reference (transcript-rebuilt; emitter-appended) ---
"""Pipeline reference for scband-decompand-black-level-60833916781007 (READ-ONLY COPY).

The authoritative reference and input builder live on the scoring server;
editing this copy changes nothing except your own understanding.
"""

import jax, jax.numpy as jnp
import numpy as np


def _build_lut():
    # Mirrors DecompandBlackLevel.__init__ with the chosen decompand_config
    compand_knee = np.array([0.0, 2048.0, 16384.0, 262144.0, 16777215.0], dtype=np.float32)
    compand_lut = np.array([0, 512, 1024, 2048, 4096], dtype=np.int64)
    black_level = 1024.0
    lut_full = np.zeros(4096, dtype=np.float32)
    for i in range(len(compand_knee) - 1):
        start_idx = int(compand_lut[i])
        end_idx = int(compand_lut[i + 1])
        num_points = end_idx - start_idx
        if num_points > 0:
            lut_full[start_idx:end_idx] = np.linspace(
                float(compand_knee[i]), float(compand_knee[i + 1]), num_points, dtype=np.float32
            )
    lut_full[int(compand_lut[-1]):] = float(compand_knee[-1])
    output_scale = 16777215.0
    lut_full = (lut_full - black_level) / output_scale
    return jnp.asarray(lut_full, dtype=jnp.float32)


def setup_inputs(seed: int = 0) -> dict:
    key = jax.random.key(seed)
    x = jax.random.randint(key, (3072, 4096), 0, 4096, dtype=jnp.int32)
    lut = _build_lut()
    return {"x": x, "lut": lut}


def reference(x, lut):
    # Faithful translation of forward() -> forward_unclamped().clamp(0, 1)
    max_index = 4095.0
    x_f = jnp.clip(x.astype(jnp.float32), 0.0, max_index)
    idx_lo = jnp.floor(x_f).astype(jnp.int32)
    idx_hi = jnp.minimum(idx_lo + 1, 4095)
    frac = x_f - idx_lo.astype(jnp.float32)
    y_lo = jnp.take(lut, idx_lo)
    y_hi = jnp.take(lut, idx_hi)
    y = y_lo + frac * (y_hi - y_lo)  # torch.lerp(y_lo, y_hi, frac)
    return jnp.clip(y, 0.0, 1.0)

if __name__ == "__main__":
    import jax
    _d = setup_inputs()
    print(jax.jit(kernel)(*tuple(_d.values())))

</pallas_src>

<mosaic_0001>
#map = affine_map<(d0, d1) -> (0, 0)>
#map1 = affine_map<(d0, d1) -> (0)>
module attributes {stable_mosaic.version = 14 : i64} {
  func.func @_decompand_sc(%arg0: i32, %arg1: i32, %arg2: memref<3072x4096xf32, #tpu.memory_space<hbm>>, %arg3: memref<4096xf32, #tpu.memory_space<hbm>>, %arg4: memref<3072x4096xf32, #tpu.memory_space<hbm>>, %arg5: memref<4096xf32, #tpu.memory_space<vmem>>, %arg6: memref<8x4096xf32, #tpu.memory_space<vmem>>, %arg7: memref<8x4096xf32, #tpu.memory_space<vmem>>, %arg8: memref<8x4096xf32, #tpu.memory_space<vmem>>, %arg9: memref<!tpu.dma_semaphore, #tpu.memory_space<semaphore_mem>>, %arg10: memref<!tpu.dma_semaphore, #tpu.memory_space<semaphore_mem>>, %arg11: memref<!tpu.dma_semaphore, #tpu.memory_space<semaphore_mem>>) attributes {dimension_semantics = [#tpu.dimension_semantics<core_parallel>, #tpu.dimension_semantics<subcore_parallel>], iteration_bounds = array<i64: 2, 16>, scalar_prefetch = 0 : i64, scratch_operands = 7 : i64, tpu.core_type = #tpu.core_type<sc_vector_subcore>, window_params = [{transform_indices = #map}, {transform_indices = #map1}, {transform_indices = #map}]} {
    %mul3A = arith.constant 2 : i32
    %mul3A_0 = arith.muli %arg1, %mul3A : i32
    %add3A = arith.addi %mul3A_0, %arg0 : i32
    %mul3A_1 = arith.constant 96 : i32
    %mul3A_2 = arith.muli %add3A, %mul3A_1 : i32
    "tpu.region"() ({
      %run_scoped3A = tpu.sem_alloc : memref<!tpu.dma_semaphore, #tpu.memory_space<semaphore_mem>>
      tpu.enqueue_dma source(%arg3 : memref<4096xf32, #tpu.memory_space<hbm>>) target(%arg5 : memref<4096xf32, #tpu.memory_space<vmem>>) target_semaphore(%run_scoped3A : memref<!tpu.dma_semaphore, #tpu.memory_space<semaphore_mem>>)
      tpu.wait_dma2 semaphore(%run_scoped3A : memref<!tpu.dma_semaphore, #tpu.memory_space<semaphore_mem>>) src(%arg3 : memref<4096xf32, #tpu.memory_space<hbm>>) dst(%arg5 : memref<4096xf32, #tpu.memory_space<vmem>>)
      tpu.yield
    }) : () -> ()
    %parallel_loop3A = arith.constant 0 : i32
    %parallel_loop3A_3 = arith.constant 256 : i32
    %parallel_loop3A_4 = arith.constant 1 : i32
    scf.for %parallel_loop3A_279 = %parallel_loop3A to %parallel_loop3A_3 step %parallel_loop3A_4  : i32 {
      %parallel_loop3A_280 = arith.constant 16 : i32
      %parallel_loop3A_281 = arith.muli %parallel_loop3A_279, %parallel_loop3A_280 : i32
      %parallel_loop3A_282 = arith.index_cast %parallel_loop3A_281 : i32 to index
      %parallel_loop3A_283 = tpu.vector_load %arg5[%parallel_loop3A_282] {strides = array<i32>} : memref<4096xf32, #tpu.memory_space<vmem>>, vector<16xf32>,
      %parallel_loop3A_284 = arith.constant 0.000000e+00 : f32
      %parallel_loop3A_285 = vector.broadcast %parallel_loop3A_284 : f32 to vector<16xf32>
      %parallel_loop3A_286 = arith.maximumf %parallel_loop3A_283, %parallel_loop3A_285 : vector<16xf32>
      %parallel_loop3A_287 = arith.constant 1.000000e+00 : f32
      %parallel_loop3A_288 = vector.broadcast %parallel_loop3A_287 : f32 to vector<16xf32>
      %parallel_loop3A_289 = arith.minimumf %parallel_loop3A_286, %parallel_loop3A_288 : vector<16xf32>
      %parallel_loop3A_290 = arith.constant 16 : i32
      %parallel_loop3A_291 = arith.muli %parallel_loop3A_279, %parallel_loop3A_290 : i32
      %parallel_loop3A_292 = arith.index_cast %parallel_loop3A_291 : i32 to index
      %parallel_loop3A_293 = tpu.vector_load %arg5[%parallel_loop3A_292] {strides = array<i32>} : memref<4096xf32, #tpu.memory_space<vmem>>, vector<16xf32>,
      tpu.vector_store %arg5[%parallel_loop3A_292], %parallel_loop3A_289 {strides = array<i32>} : memref<4096xf32, #tpu.memory_space<vmem>>, vector<16xf32>,
    } {sc.loop_unroll_factor = 8 : i64, sc.parallel_access}
    %add3A_5 = arith.constant 0 : i32
    %add3A_6 = arith.addi %mul3A_2, %add3A_5 : i32
    %dma_start3A = arith.constant 0 : i32
    %dma_start3A_7 = tpu.memref_slice %arg2[%add3A_6, %dma_start3A] : memref<3072x4096xf32, #tpu.memory_space<hbm>> -> memref<8x4096xf32, #tpu.memory_space<hbm>>
    %dma_start3A_8 = arith.constant 0 : i32
    %dma_start3A_9 = tpu.memref_slice %arg2[%add3A_6, %dma_start3A_8] : memref<3072x4096xf32, #tpu.memory_space<hbm>> -> memref<8x4096xf32, #tpu.memory_space<hbm>>
    tpu.enqueue_dma source(%dma_start3A_9 : memref<8x4096xf32, #tpu.memory_space<hbm>>) target(%arg6 : memref<8x4096xf32, #tpu.memory_space<vmem>>) target_semaphore(%arg9 : memref<!tpu.dma_semaphore, #tpu.memory_space<semaphore_mem>>)
    %add3A_10 = arith.constant 8 : i32
    %add3A_11 = arith.addi %mul3A_2, %add3A_10 : i32
    %dma_start3A_12 = arith.constant 0 : i32
    %dma_start3A_13 = tpu.memref_slice %arg2[%add3A_11, %dma_start3A_12] : memref<3072x4096xf32, #tpu.memory_space<hbm>> -> memref<8x4096xf32, #tpu.memory_space<hbm>>
    %dma_start3A_14 = arith.constant 0 : i32
    %dma_start3A_15 = tpu.memref_slice %arg2[%add3A_11, %dma_start3A_14] : memref<3072x4096xf32, #tpu.memory_space<hbm>> -> memref<8x4096xf32, #tpu.memory_space<hbm>>
    tpu.enqueue_dma source(%dma_start3A_15 : memref<8x4096xf32, #tpu.memory_space<hbm>>) target(%arg7 : memref<8x4096xf32, #tpu.memory_space<vmem>>) target_semaphore(%arg10 : memref<!tpu.dma_semaphore, #tpu.memory_space<semaphore_mem>>)
    %dma_wait3A = arith.constant 0 : i32
    %dma_wait3A_16 = tpu.memref_slice %arg2[%mul3A_2, %dma_wait3A] : memref<3072x4096xf32, #tpu.memory_space<hbm>> -> memref<8x4096xf32, #tpu.memory_space<hbm>>
    %dma_wait3A_17 = arith.constant 0 : i32
    %dma_wait3A_18 = tpu.memref_slice %arg2[%mul3A_2, %dma_wait3A_17] : memref<3072x4096xf32, #tpu.memory_space<hbm>> -> memref<8x4096xf32, #tpu.memory_space<hbm>>
    tpu.wait_dma2 semaphore(%arg9 : memref<!tpu.dma_semaphore, #tpu.memory_space<semaphore_mem>>) src(%dma_wait3A_18 : memref<8x4096xf32, #tpu.memory_space<hbm>>) dst(%arg6 : memref<8x4096xf32, #tpu.memory_space<vmem>>)
    %parallel_loop3A_19 = arith.constant 0 : i32
    %parallel_loop3A_20 = arith.constant 2048 : i32
    %parallel_loop3A_21 = arith.constant 1 : i32
    scf.for %parallel_loop3A_279 = %parallel_loop3A_19 to %parallel_loop3A_20 step %parallel_loop3A_21  : i32 {
      %parallel_loop3A_280 = arith.constant 8 : i32
      %parallel_loop3A_281 = arith.shrsi %parallel_loop3A_279, %parallel_loop3A_280 : i32
      %parallel_loop3A_282 = arith.constant 255 : i32
      %parallel_loop3A_283 = arith.andi %parallel_loop3A_279, %parallel_loop3A_282 : i32
      %parallel_loop3A_284 = arith.constant 16 : i32
      %parallel_loop3A_285 = arith.muli %parallel_loop3A_283, %parallel_loop3A_284 : i32
      %parallel_loop3A_286 = arith.index_cast %parallel_loop3A_281 : i32 to index
      %parallel_loop3A_287 = arith.index_cast %parallel_loop3A_285 : i32 to index
      %parallel_loop3A_288 = tpu.vector_load %arg6[%parallel_loop3A_286, %parallel_loop3A_287] {strides = array<i32>} : memref<8x4096xf32, #tpu.memory_space<vmem>>, vector<16xf32>,
      %parallel_loop3A_289 = vector.bitcast %parallel_loop3A_288 : vector<16xf32> to vector<16xi32>
      %parallel_loop3A_290 = arith.constant 0 : i32
      %parallel_loop3A_291 = vector.broadcast %parallel_loop3A_290 : i32 to vector<16xi32>
      %parallel_loop3A_292 = arith.maxsi %parallel_loop3A_289, %parallel_loop3A_291 : vector<16xi32>
      %parallel_loop3A_293 = arith.constant 4095 : i32
      %parallel_loop3A_294 = vector.broadcast %parallel_loop3A_293 : i32 to vector<16xi32>
      %parallel_loop3A_295 = arith.minsi %parallel_loop3A_292, %parallel_loop3A_294 : vector<16xi32>
      %parallel_loop3A_296 = tpu.vector_load_idx %arg5[%parallel_loop3A_295] : memref<4096xf32, #tpu.memory_space<vmem>>[vector<16xi32>], vector<16xf32>,
      %parallel_loop3A_297 = arith.index_cast %parallel_loop3A_281 : i32 to index
      %parallel_loop3A_298 = arith.index_cast %parallel_loop3A_285 : i32 to index
      %parallel_loop3A_299 = tpu.vector_load %arg6[%parallel_loop3A_297, %parallel_loop3A_298] {strides = array<i32>} : memref<8x4096xf32, #tpu.memory_space<vmem>>, vector<16xf32>,
      tpu.vector_store %arg6[%parallel_loop3A_297, %parallel_loop3A_298], %parallel_loop3A_296 {strides = array<i32>} : memref<8x4096xf32, #tpu.memory_space<vmem>>, vector<16xf32>,
    } {sc.loop_unroll_factor = 8 : i64, sc.parallel_access}
    %add3A_22 = arith.constant 0 : i32
    %add3A_23 = arith.addi %mul3A_2, %add3A_22 : i32
    %dma_start3A_24 = arith.constant 0 : i32
    %dma_start3A_25 = tpu.memref_slice %arg4[%add3A_23, %dma_start3A_24] : memref<3072x4096xf32, #tpu.memory_space<hbm>> -> memref<8x4096xf32, #tpu.memory_space<hbm>>
    %dma_start3A_26 = arith.constant 0 : i32
    %dma_start3A_27 = tpu.memref_slice %arg4[%add3A_23, %dma_start3A_26] : memref<3072x4096xf32, #tpu.memory_space<hbm>> -> memref<8x4096xf32, #tpu.memory_space<hbm>>
    tpu.enqueue_dma source(%arg6 : memref<8x4096xf32, #tpu.memory_space<vmem>>) target(%dma_start3A_27 : memref<8x4096xf32, #tpu.memory_space<hbm>>) target_semaphore(%arg9 : memref<!tpu.dma_semaphore, #tpu.memory_space<semaphore_mem>>)
    %add3A_28 = arith.constant 16 : i32
    %add3A_29 = arith.addi %mul3A_2, %add3A_28 : i32
    %dma_start3A_30 = arith.constant 0 : i32
    %dma_start3A_31 = tpu.memref_slice %arg2[%add3A_29, %dma_start3A_30] : memref<3072x4096xf32, #tpu.memory_space<hbm>> -> memref<8x4096xf32, #tpu.memory_space<hbm>>
    %dma_start3A_32 = arith.constant 0 : i32
    %dma_start3A_33 = tpu.memref_slice %arg2[%add3A_29, %dma_start3A_32] : memref<3072x4096xf32, #tpu.memory_space<hbm>> -> memref<8x4096xf32, #tpu.memory_space<hbm>>
    tpu.enqueue_dma source(%dma_start3A_33 : memref<8x4096xf32, #tpu.memory_space<hbm>>) target(%arg8 : memref<8x4096xf32, #tpu.memory_space<vmem>>) target_semaphore(%arg11 : memref<!tpu.dma_semaphore, #tpu.memory_space<semaphore_mem>>)
    %dma_wait3A_34 = arith.constant 0 : i32
    %dma_wait3A_35 = tpu.memref_slice %arg2[%mul3A_2, %dma_wait3A_34] : memref<3072x4096xf32, #tpu.memory_space<hbm>> -> memref<8x4096xf32, #tpu.memory_space<hbm>>
    %dma_wait3A_36 = arith.constant 0 : i32
    %dma_wait3A_37 = tpu.memref_slice %arg2[%mul3A_2, %dma_wait3A_36] : memref<3072x4096xf32, #tpu.memory_space<hbm>> -> memref<8x4096xf32, #tpu.memory_space<hbm>>
    tpu.wait_dma2 semaphore(%arg10 : memref<!tpu.dma_semaphore, #tpu.memory_space<semaphore_mem>>) src(%dma_wait3A_37 : memref<8x4096xf32, #tpu.memory_space<hbm>>) dst(%arg7 : memref<8x4096xf32, #tpu.memory_space<vmem>>)
    %parallel_loop3A_38 = arith.constant 0 : i32
    %parallel_loop3A_39 = arith.constant 2048 : i32
    %parallel_loop3A_40 = arith.constant 1 : i32
    scf.for %parallel_loop3A_279 = %parallel_loop3A_38 to %parallel_loop3A_39 step %parallel_loop3A_40  : i32 {
      %parallel_loop3A_280 = arith.constant 8 : i32
      %parallel_loop3A_281 = arith.shrsi %parallel_loop3A_279, %parallel_loop3A_280 : i32
      %parallel_loop3A_282 = arith.constant 255 : i32
      %parallel_loop3A_283 = arith.andi %parallel_loop3A_279, %parallel_loop3A_282 : i32
      %parallel_loop3A_284 = arith.constant 16 : i32
      %parallel_loop3A_285 = arith.muli %parallel_loop3A_283, %parallel_loop3A_284 : i32
      %parallel_loop3A_286 = arith.index_cast %parallel_loop3A_281 : i32 to index
      %parallel_loop3A_287 = arith.index_cast %parallel_loop3A_285 : i32 to index
      %parallel_loop3A_288 = tpu.vector_load %arg7[%parallel_loop3A_286, %parallel_loop3A_287] {strides = array<i32>} : memref<8x4096xf32, #tpu.memory_space<vmem>>, vector<16xf32>,
      %parallel_loop3A_289 = vector.bitcast %parallel_loop3A_288 : vector<16xf32> to vector<16xi32>
      %parallel_loop3A_290 = arith.constant 0 : i32
      %parallel_loop3A_291 = vector.broadcast %parallel_loop3A_290 : i32 to vector<16xi32>
      %parallel_loop3A_292 = arith.maxsi %parallel_loop3A_289, %parallel_loop3A_291 : vector<16xi32>
      %parallel_loop3A_293 = arith.constant 4095 : i32
      %parallel_loop3A_294 = vector.broadcast %parallel_loop3A_293 : i32 to vector<16xi32>
      %parallel_loop3A_295 = arith.minsi %parallel_loop3A_292, %parallel_loop3A_294 : vector<16xi32>
      %parallel_loop3A_296 = tpu.vector_load_idx %arg5[%parallel_loop3A_295] : memref<4096xf32, #tpu.memory_space<vmem>>[vector<16xi32>], vector<16xf32>,
      %parallel_loop3A_297 = arith.index_cast %parallel_loop3A_281 : i32 to index
      %parallel_loop3A_298 = arith.index_cast %parallel_loop3A_285 : i32 to index
      %parallel_loop3A_299 = tpu.vector_load %arg7[%parallel_loop3A_297, %parallel_loop3A_298] {strides = array<i32>} : memref<8x4096xf32, #tpu.memory_space<vmem>>, vector<16xf32>,
      tpu.vector_store %arg7[%parallel_loop3A_297, %parallel_loop3A_298], %parallel_loop3A_296 {strides = array<i32>} : memref<8x4096xf32, #tpu.memory_space<vmem>>, vector<16xf32>,
    } {sc.loop_unroll_factor = 8 : i64, sc.parallel_access}
    %add3A_41 = arith.constant 8 : i32
    %add3A_42 = arith.addi %mul3A_2, %add3A_41 : i32
    %dma_start3A_43 = arith.constant 0 : i32
    %dma_start3A_44 = tpu.memref_slice %arg4[%add3A_42, %dma_start3A_43] : memref<3072x4096xf32, #tpu.memory_space<hbm>> -> memref<8x4096xf32, #tpu.memory_space<hbm>>
    %dma_start3A_45 = arith.constant 0 : i32
    %dma_start3A_46 = tpu.memref_slice %arg4[%add3A_42, %dma_start3A_45] : memref<3072x4096xf32, #tpu.memory_space<hbm>> -> memref<8x4096xf32, #tpu.memory_space<hbm>>
    tpu.enqueue_dma source(%arg7 : memref<8x4096xf32, #tpu.memory_space<vmem>>) target(%dma_start3A_46 : memref<8x4096xf32, #tpu.memory_space<hbm>>) target_semaphore(%arg10 : memref<!tpu.dma_semaphore, #tpu.memory_space<semaphore_mem>>)
    %dma_wait3A_47 = arith.constant 0 : i32
    %dma_wait3A_48 = tpu.memref_slice %arg2[%mul3A_2, %dma_wait3A_47] : memref<3072x4096xf32, #tpu.memory_space<hbm>> -> memref<8x4096xf32, #tpu.memory_space<hbm>>
    %dma_wait3A_49 = arith.constant 0 : i32
    %dma_wait3A_50 = tpu.memref_slice %arg2[%mul3A_2, %dma_wait3A_49] : memref<3072x4096xf32, #tpu.memory_space<hbm>> -> memref<8x4096xf32, #tpu.memory_space<hbm>>
    tpu.wait_dma2 semaphore(%arg9 : memref<!tpu.dma_semaphore, #tpu.memory_space<semaphore_mem>>) src(%dma_wait3A_50 : memref<8x4096xf32, #tpu.memory_space<hbm>>) dst(%arg6 : memref<8x4096xf32, #tpu.memory_space<vmem>>)
    %add3A_51 = arith.constant 24 : i32
    %add3A_52 = arith.addi %mul3A_2, %add3A_51 : i32
    %dma_start3A_53 = arith.constant 0 : i32
    %dma_start3A_54 = tpu.memref_slice %arg2[%add3A_52, %dma_start3A_53] : memref<3072x4096xf32, #tpu.memory_space<hbm>> -> memref<8x4096xf32, #tpu.memory_space<hbm>>
    %dma_start3A_55 = arith.constant 0 : i32
    %dma_start3A_56 = tpu.memref_slice %arg2[%add3A_52, %dma_start3A_55] : memref<3072x4096xf32, #tpu.memory_space<hbm>> -> memref<8x4096xf32, #tpu.memory_space<hbm>>
    tpu.enqueue_dma source(%dma_start3A_56 : memref<8x4096xf32, #tpu.memory_space<hbm>>) target(%arg6 : memref<8x4096xf32, #tpu.memory_space<vmem>>) target_semaphore(%arg9 : memref<!tpu.dma_semaphore, #tpu.memory_space<semaphore_mem>>)
    %dma_wait3A_57 = arith.constant 0 : i32
    %dma_wait3A_58 = tpu.memref_slice %arg2[%mul3A_2, %dma_wait3A_57] : memref<3072x4096xf32, #tpu.memory_space<hbm>> -> memref<8x4096xf32, #tpu.memory_space<hbm>>
    %dma_wait3A_59 = arith.constant 0 : i32
    %dma_wait3A_60 = tpu.memref_slice %arg2[%mul3A_2, %dma_wait3A_59] : memref<3072x4096xf32, #tpu.memory_space<hbm>> -> memref<8x4096xf32, #tpu.memory_space<hbm>>
    tpu.wait_dma2 semaphore(%arg11 : memref<!tpu.dma_semaphore, #tpu.memory_space<semaphore_mem>>) src(%dma_wait3A_60 : memref<8x4096xf32, #tpu.memory_space<hbm>>) dst(%arg8 : memref<8x4096xf32, #tpu.memory_space<vmem>>)
    %parallel_loop3A_61 = arith.constant 0 : i32
    %parallel_loop3A_62 = arith.constant 2048 : i32
    %parallel_loop3A_63 = arith.constant 1 : i32
    scf.for %parallel_loop3A_279 = %parallel_loop3A_61 to %parallel_loop3A_62 step %parallel_loop3A_63  : i32 {
      %parallel_loop3A_280 = arith.constant 8 : i32
      %parallel_loop3A_281 = arith.shrsi %parallel_loop3A_279, %parallel_loop3A_280 : i32
      %parallel_loop3A_282 = arith.constant 255 : i32
      %parallel_loop3A_283 = arith.andi %parallel_loop3A_279, %parallel_loop3A_282 : i32
      %parallel_loop3A_284 = arith.constant 16 : i32
      %parallel_loop3A_285 = arith.muli %parallel_loop3A_283, %parallel_loop3A_284 : i32
      %parallel_loop3A_286 = arith.index_cast %parallel_loop3A_281 : i32 to index
      %parallel_loop3A_287 = arith.index_cast %parallel_loop3A_285 : i32 to index
      %parallel_loop3A_288 = tpu.vector_load %arg8[%parallel_loop3A_286, %parallel_loop3A_287] {strides = array<i32>} : memref<8x4096xf32, #tpu.memory_space<vmem>>, vector<16xf32>,
      %parallel_loop3A_289 = vector.bitcast %parallel_loop3A_288 : vector<16xf32> to vector<16xi32>
      %parallel_loop3A_290 = arith.constant 0 : i32
      %parallel_loop3A_291 = vector.broadcast %parallel_loop3A_290 : i32 to vector<16xi32>
      %parallel_loop3A_292 = arith.maxsi %parallel_loop3A_289, %parallel_loop3A_291 : vector<16xi32>
      %parallel_loop3A_293 = arith.constant 4095 : i32
      %parallel_loop3A_294 = vector.broadcast %parallel_loop3A_293 : i32 to vector<16xi32>
      %parallel_loop3A_295 = arith.minsi %parallel_loop3A_292, %parallel_loop3A_294 : vector<16xi32>
      %parallel_loop3A_296 = tpu.vector_load_idx %arg5[%parallel_loop3A_295] : memref<4096xf32, #tpu.memory_space<vmem>>[vector<16xi32>], vector<16xf32>,
      %parallel_loop3A_297 = arith.index_cast %parallel_loop3A_281 : i32 to index
      %parallel_loop3A_298 = arith.index_cast %parallel_loop3A_285 : i32 to index
      %parallel_loop3A_299 = tpu.vector_load %arg8[%parallel_loop3A_297, %parallel_loop3A_298] {strides = array<i32>} : memref<8x4096xf32, #tpu.memory_space<vmem>>, vector<16xf32>,
      tpu.vector_store %arg8[%parallel_loop3A_297, %parallel_loop3A_298], %parallel_loop3A_296 {strides = array<i32>} : memref<8x4096xf32, #tpu.memory_space<vmem>>, vector<16xf32>,
    } {sc.loop_unroll_factor = 8 : i64, sc.parallel_access}
    %add3A_64 = arith.constant 16 : i32
    %add3A_65 = arith.addi %mul3A_2, %add3A_64 : i32
    %dma_start3A_66 = arith.constant 0 : i32
    %dma_start3A_67 = tpu.memref_slice %arg4[%add3A_65, %dma_start3A_66] : memref<3072x4096xf32, #tpu.memory_space<hbm>> -> memref<8x4096xf32, #tpu.memory_space<hbm>>
    %dma_start3A_68 = arith.constant 0 : i32
    %dma_start3A_69 = tpu.memref_slice %arg4[%add3A_65, %dma_start3A_68] : memref<3072x4096xf32, #tpu.memory_space<hbm>> -> memref<8x4096xf32, #tpu.memory_space<hbm>>
    tpu.enqueue_dma source(%arg8 : memref<8x4096xf32, #tpu.memory_space<vmem>>) target(%dma_start3A_69 : memref<8x4096xf32, #tpu.memory_space<hbm>>) target_semaphore(%arg11 : memref<!tpu.dma_semaphore, #tpu.memory_space<semaphore_mem>>)
    %dma_wait3A_70 = arith.constant 0 : i32
    %dma_wait3A_71 = tpu.memref_slice %arg2[%mul3A_2, %dma_wait3A_70] : memref<3072x4096xf32, #tpu.memory_space<hbm>> -> memref<8x4096xf32, #tpu.memory_space<hbm>>
    %dma_wait3A_72 = arith.constant 0 : i32
    %dma_wait3A_73 = tpu.memref_slice %arg2[%mul3A_2, %dma_wait3A_72] : memref<3072x4096xf32, #tpu.memory_space<hbm>> -> memref<8x4096xf32, #tpu.memory_space<hbm>>
    tpu.wait_dma2 semaphore(%arg10 : memref<!tpu.dma_semaphore, #tpu.memory_space<semaphore_mem>>) src(%dma_wait3A_73 : memref<8x4096xf32, #tpu.memory_space<hbm>>) dst(%arg7 : memref<8x4096xf32, #tpu.memory_space<vmem>>)
    %add3A_74 = arith.constant 32 : i32
    %add3A_75 = arith.addi %mul3A_2, %add3A_74 : i32
    %dma_start3A_76 = arith.constant 0 : i32
    %dma_start3A_77 = tpu.memref_slice %arg2[%add3A_75, %dma_start3A_76] : memref<3072x4096xf32, #tpu.memory_space<hbm>> -> memref<8x4096xf32, #tpu.memory_space<hbm>>
    %dma_start3A_78 = arith.constant 0 : i32
    %dma_start3A_79 = tpu.memref_slice %arg2[%add3A_75, %dma_start3A_78] : memref<3072x4096xf32, #tpu.memory_space<hbm>> -> memref<8x4096xf32, #tpu.memory_space<hbm>>
    tpu.enqueue_dma source(%dma_start3A_79 : memref<8x4096xf32, #tpu.memory_space<hbm>>) target(%arg7 : memref<8x4096xf32, #tpu.memory_space<vmem>>) target_semaphore(%arg10 : memref<!tpu.dma_semaphore, #tpu.memory_space<semaphore_mem>>)
    %dma_wait3A_80 = arith.constant 0 : i32
    %dma_wait3A_81 = tpu.memref_slice %arg2[%mul3A_2, %dma_wait3A_80] : memref<3072x4096xf32, #tpu.memory_space<hbm>> -> memref<8x4096xf32, #tpu.memory_space<hbm>>
    %dma_wait3A_82 = arith.constant 0 : i32
    %dma_wait3A_83 = tpu.memref_slice %arg2[%mul3A_2, %dma_wait3A_82] : memref<3072x4096xf32, #tpu.memory_space<hbm>> -> memref<8x4096xf32, #tpu.memory_space<hbm>>
    tpu.wait_dma2 semaphore(%arg9 : memref<!tpu.dma_semaphore, #tpu.memory_space<semaphore_mem>>) src(%dma_wait3A_83 : memref<8x4096xf32, #tpu.memory_space<hbm>>) dst(%arg6 : memref<8x4096xf32, #tpu.memory_space<vmem>>)
    %parallel_loop3A_84 = arith.constant 0 : i32
    %parallel_loop3A_85 = arith.constant 2048 : i32
    %parallel_loop3A_86 = arith.constant 1 : i32
    scf.for %parallel_loop3A_279 = %parallel_loop3A_84 to %parallel_loop3A_85 step %parallel_loop3A_86  : i32 {
      %parallel_loop3A_280 = arith.constant 8 : i32
      %parallel_loop3A_281 = arith.shrsi %parallel_loop3A_279, %parallel_loop3A_280 : i32
      %parallel_loop3A_282 = arith.constant 255 : i32
      %parallel_loop3A_283 = arith.andi %parallel_loop3A_279, %parallel_loop3A_282 : i32
      %parallel_loop3A_284 = arith.constant 16 : i32
      %parallel_loop3A_285 = arith.muli %parallel_loop3A_283, %parallel_loop3A_284 : i32
      %parallel_loop3A_286 = arith.index_cast %parallel_loop3A_281 : i32 to index
      %parallel_loop3A_287 = arith.index_cast %parallel_loop3A_285 : i32 to index
      %parallel_loop3A_288 = tpu.vector_load %arg6[%parallel_loop3A_286, %parallel_loop3A_287] {strides = array<i32>} : memref<8x4096xf32, #tpu.memory_space<vmem>>, vector<16xf32>,
      %parallel_loop3A_289 = vector.bitcast %parallel_loop3A_288 : vector<16xf32> to vector<16xi32>
      %parallel_loop3A_290 = arith.constant 0 : i32
      %parallel_loop3A_291 = vector.broadcast %parallel_loop3A_290 : i32 to vector<16xi32>
      %parallel_loop3A_292 = arith.maxsi %parallel_loop3A_289, %parallel_loop3A_291 : vector<16xi32>
      %parallel_loop3A_293 = arith.constant 4095 : i32
      %parallel_loop3A_294 = vector.broadcast %parallel_loop3A_293 : i32 to vector<16xi32>
      %parallel_loop3A_295 = arith.minsi %parallel_loop3A_292, %parallel_loop3A_294 : vector<16xi32>
      %parallel_loop3A_296 = tpu.vector_load_idx %arg5[%parallel_loop3A_295] : memref<4096xf32, #tpu.memory_space<vmem>>[vector<16xi32>], vector<16xf32>,
      %parallel_loop3A_297 = arith.index_cast %parallel_loop3A_281 : i32 to index
      %parallel_loop3A_298 = arith.index_cast %parallel_loop3A_285 : i32 to index
      %parallel_loop3A_299 = tpu.vector_load %arg6[%parallel_loop3A_297, %parallel_loop3A_298] {strides = array<i32>} : memref<8x4096xf32, #tpu.memory_space<vmem>>, vector<16xf32>,
      tpu.vector_store %arg6[%parallel_loop3A_297, %parallel_loop3A_298], %parallel_loop3A_296 {strides = array<i32>} : memref<8x4096xf32, #tpu.memory_space<vmem>>, vector<16xf32>,
    } {sc.loop_unroll_factor = 8 : i64, sc.parallel_access}
    %add3A_87 = arith.constant 24 : i32
    %add3A_88 = arith.addi %mul3A_2, %add3A_87 : i32
    %dma_start3A_89 = arith.constant 0 : i32
    %dma_start3A_90 = tpu.memref_slice %arg4[%add3A_88, %dma_start3A_89] : memref<3072x4096xf32, #tpu.memory_space<hbm>> -> memref<8x4096xf32, #tpu.memory_space<hbm>>
    %dma_start3A_91 = arith.constant 0 : i32
    %dma_start3A_92 = tpu.memref_slice %arg4[%add3A_88, %dma_start3A_91] : memref<3072x4096xf32, #tpu.memory_space<hbm>> -> memref<8x4096xf32, #tpu.memory_space<hbm>>
    tpu.enqueue_dma source(%arg6 : memref<8x4096xf32, #tpu.memory_space<vmem>>) target(%dma_start3A_92 : memref<8x4096xf32, #tpu.memory_space<hbm>>) target_semaphore(%arg9 : memref<!tpu.dma_semaphore, #tpu.memory_space<semaphore_mem>>)
    %dma_wait3A_93 = arith.constant 0 : i32
    %dma_wait3A_94 = tpu.memref_slice %arg2[%mul3A_2, %dma_wait3A_93] : memref<3072x4096xf32, #tpu.memory_space<hbm>> -> memref<8x4096xf32, #tpu.memory_space<hbm>>
    %dma_wait3A_95 = arith.constant 0 : i32
    %dma_wait3A_96 = tpu.memref_slice %arg2[%mul3A_2, %dma_wait3A_95] : memref<3072x4096xf32, #tpu.memory_space<hbm>> -> memref<8x4096xf32, #tpu.memory_space<hbm>>
    tpu.wait_dma2 semaphore(%arg11 : memref<!tpu.dma_semaphore, #tpu.memory_space<semaphore_mem>>) src(%dma_wait3A_96 : memref<8x4096xf32, #tpu.memory_space<hbm>>) dst(%arg8 : memref<8x4096xf32, #tpu.memory_space<vmem>>)
    %add3A_97 = arith.constant 40 : i32
    %add3A_98 = arith.addi %mul3A_2, %add3A_97 : i32
    %dma_start3A_99 = arith.constant 0 : i32
    %dma_start3A_100 = tpu.memref_slice %arg2[%add3A_98, %dma_start3A_99] : memref<3072x4096xf32, #tpu.memory_space<hbm>> -> memref<8x4096xf32, #tpu.memory_space<hbm>>
    %dma_start3A_101 = arith.constant 0 : i32
    %dma_start3A_102 = tpu.memref_slice %arg2[%add3A_98, %dma_start3A_101] : memref<3072x4096xf32, #tpu.memory_space<hbm>> -> memref<8x4096xf32, #tpu.memory_space<hbm>>
    tpu.enqueue_dma source(%dma_start3A_102 : memref<8x4096xf32, #tpu.memory_space<hbm>>) target(%arg8 : memref<8x4096xf32, #tpu.memory_space<vmem>>) target_semaphore(%arg11 : memref<!tpu.dma_semaphore, #tpu.memory_space<semaphore_mem>>)
    %dma_wait3A_103 = arith.constant 0 : i32
    %dma_wait3A_104 = tpu.memref_slice %arg2[%mul3A_2, %dma_wait3A_103] : memref<3072x4096xf32, #tpu.memory_space<hbm>> -> memref<8x4096xf32, #tpu.memory_space<hbm>>
    %dma_wait3A_105 = arith.constant 0 : i32
    %dma_wait3A_106 = tpu.memref_slice %arg2[%mul3A_2, %dma_wait3A_105] : memref<3072x4096xf32, #tpu.memory_space<hbm>> -> memref<8x4096xf32, #tpu.memory_space<hbm>>
    tpu.wait_dma2 semaphore(%arg10 : memref<!tpu.dma_semaphore, #tpu.memory_space<semaphore_mem>>) src(%dma_wait3A_106 : memref<8x4096xf32, #tpu.memory_space<hbm>>) dst(%arg7 : memref<8x4096xf32, #tpu.memory_space<vmem>>)
    %parallel_loop3A_107 = arith.constant 0 : i32
    %parallel_loop3A_108 = arith.constant 2048 : i32
    %parallel_loop3A_109 = arith.constant 1 : i32
    scf.for %parallel_loop3A_279 = %parallel_loop3A_107 to %parallel_loop3A_108 step %parallel_loop3A_109  : i32 {
      %parallel_loop3A_280 = arith.constant 8 : i32
      %parallel_loop3A_281 = arith.shrsi %parallel_loop3A_279, %parallel_loop3A_280 : i32
      %parallel_loop3A_282 = arith.constant 255 : i32
      %parallel_loop3A_283 = arith.andi %parallel_loop3A_279, %parallel_loop3A_282 : i32
      %parallel_loop3A_284 = arith.constant 16 : i32
      %parallel_loop3A_285 = arith.muli %parallel_loop3A_283, %parallel_loop3A_284 : i32
      %parallel_loop3A_286 = arith.index_cast %parallel_loop3A_281 : i32 to index
      %parallel_loop3A_287 = arith.index_cast %parallel_loop3A_285 : i32 to index
      %parallel_loop3A_288 = tpu.vector_load %arg7[%parallel_loop3A_286, %parallel_loop3A_287] {strides = array<i32>} : memref<8x4096xf32, #tpu.memory_space<vmem>>, vector<16xf32>,
      %parallel_loop3A_289 = vector.bitcast %parallel_loop3A_288 : vector<16xf32> to vector<16xi32>
      %parallel_loop3A_290 = arith.constant 0 : i32
      %parallel_loop3A_291 = vector.broadcast %parallel_loop3A_290 : i32 to vector<16xi32>
      %parallel_loop3A_292 = arith.maxsi %parallel_loop3A_289, %parallel_loop3A_291 : vector<16xi32>
      %parallel_loop3A_293 = arith.constant 4095 : i32
      %parallel_loop3A_294 = vector.broadcast %parallel_loop3A_293 : i32 to vector<16xi32>
      %parallel_loop3A_295 = arith.minsi %parallel_loop3A_292, %parallel_loop3A_294 : vector<16xi32>
      %parallel_loop3A_296 = tpu.vector_load_idx %arg5[%parallel_loop3A_295] : memref<4096xf32, #tpu.memory_space<vmem>>[vector<16xi32>], vector<16xf32>,
      %parallel_loop3A_297 = arith.index_cast %parallel_loop3A_281 : i32 to index
      %parallel_loop3A_298 = arith.index_cast %parallel_loop3A_285 : i32 to index
      %parallel_loop3A_299 = tpu.vector_load %arg7[%parallel_loop3A_297, %parallel_loop3A_298] {strides = array<i32>} : memref<8x4096xf32, #tpu.memory_space<vmem>>, vector<16xf32>,
      tpu.vector_store %arg7[%parallel_loop3A_297, %parallel_loop3A_298], %parallel_loop3A_296 {strides = array<i32>} : memref<8x4096xf32, #tpu.memory_space<vmem>>, vector<16xf32>,
    } {sc.loop_unroll_factor = 8 : i64, sc.parallel_access}
    %add3A_110 = arith.constant 32 : i32
    %add3A_111 = arith.addi %mul3A_2, %add3A_110 : i32
    %dma_start3A_112 = arith.constant 0 : i32
    %dma_start3A_113 = tpu.memref_slice %arg4[%add3A_111, %dma_start3A_112] : memref<3072x4096xf32, #tpu.memory_space<hbm>> -> memref<8x4096xf32, #tpu.memory_space<hbm>>
    %dma_start3A_114 = arith.constant 0 : i32
    %dma_start3A_115 = tpu.memref_slice %arg4[%add3A_111, %dma_start3A_114] : memref<3072x4096xf32, #tpu.memory_space<hbm>> -> memref<8x4096xf32, #tpu.memory_space<hbm>>
    tpu.enqueue_dma source(%arg7 : memref<8x4096xf32, #tpu.memory_space<vmem>>) target(%dma_start3A_115 : memref<8x4096xf32, #tpu.memory_space<hbm>>) target_semaphore(%arg10 : memref<!tpu.dma_semaphore, #tpu.memory_space<semaphore_mem>>)
    %dma_wait3A_116 = arith.constant 0 : i32
    %dma_wait3A_117 = tpu.memref_slice %arg2[%mul3A_2, %dma_wait3A_116] : memref<3072x4096xf32, #tpu.memory_space<hbm>> -> memref<8x4096xf32, #tpu.memory_space<hbm>>
    %dma_wait3A_118 = arith.constant 0 : i32
    %dma_wait3A_119 = tpu.memref_slice %arg2[%mul3A_2, %dma_wait3A_118] : memref<3072x4096xf32, #tpu.memory_space<hbm>> -> memref<8x4096xf32, #tpu.memory_space<hbm>>
    tpu.wait_dma2 semaphore(%arg9 : memref<!tpu.dma_semaphore, #tpu.memory_space<semaphore_mem>>) src(%dma_wait3A_119 : memref<8x4096xf32, #tpu.memory_space<hbm>>) dst(%arg6 : memref<8x4096xf32, #tpu.memory_space<vmem>>)
    %add3A_120 = arith.constant 48 : i32
    %add3A_121 = arith.addi %mul3A_2, %add3A_120 : i32
    %dma_start3A_122 = arith.constant 0 : i32
    %dma_start3A_123 = tpu.memref_slice %arg2[%add3A_121, %dma_start3A_122] : memref<3072x4096xf32, #tpu.memory_space<hbm>> -> memref<8x4096xf32, #tpu.memory_space<hbm>>
    %dma_start3A_124 = arith.constant 0 : i32
    %dma_start3A_125 = tpu.memref_slice %arg2[%add3A_121, %dma_start3A_124] : memref<3072x4096xf32, #tpu.memory_space<hbm>> -> memref<8x4096xf32, #tpu.memory_space<hbm>>
    tpu.enqueue_dma source(%dma_start3A_125 : memref<8x4096xf32, #tpu.memory_space<hbm>>) target(%arg6 : memref<8x4096xf32, #tpu.memory_space<vmem>>) target_semaphore(%arg9 : memref<!tpu.dma_semaphore, #tpu.memory_space<semaphore_mem>>)
    %dma_wait3A_126 = arith.constant 0 : i32
    %dma_wait3A_127 = tpu.memref_slice %arg2[%mul3A_2, %dma_wait3A_126] : memref<3072x4096xf32, #tpu.memory_space<hbm>> -> memref<8x4096xf32, #tpu.memory_space<hbm>>
    %dma_wait3A_128 = arith.constant 0 : i32
    %dma_wait3A_129 = tpu.memref_slice %arg2[%mul3A_2, %dma_wait3A_128] : memref<3072x4096xf32, #tpu.memory_space<hbm>> -> memref<8x4096xf32, #tpu.memory_space<hbm>>
    tpu.wait_dma2 semaphore(%arg11 : memref<!tpu.dma_semaphore, #tpu.memory_space<semaphore_mem>>) src(%dma_wait3A_129 : memref<8x4096xf32, #tpu.memory_space<hbm>>) dst(%arg8 : memref<8x4096xf32, #tpu.memory_space<vmem>>)
    %parallel_loop3A_130 = arith.constant 0 : i32
    %parallel_loop3A_131 = arith.constant 2048 : i32
    %parallel_loop3A_132 = arith.constant 1 : i32
    scf.for %parallel_loop3A_279 = %parallel_loop3A_130 to %parallel_loop3A_131 step %parallel_loop3A_132  : i32 {
      %parallel_loop3A_280 = arith.constant 8 : i32
      %parallel_loop3A_281 = arith.shrsi %parallel_loop3A_279, %parallel_loop3A_280 : i32
      %parallel_loop3A_282 = arith.constant 255 : i32
      %parallel_loop3A_283 = arith.andi %parallel_loop3A_279, %parallel_loop3A_282 : i32
      %parallel_loop3A_284 = arith.constant 16 : i32
      %parallel_loop3A_285 = arith.muli %parallel_loop3A_283, %parallel_loop3A_284 : i32
      %parallel_loop3A_286 = arith.index_cast %parallel_loop3A_281 : i32 to index
      %parallel_loop3A_287 = arith.index_cast %parallel_loop3A_285 : i32 to index
      %parallel_loop3A_288 = tpu.vector_load %arg8[%parallel_loop3A_286, %parallel_loop3A_287] {strides = array<i32>} : memref<8x4096xf32, #tpu.memory_space<vmem>>, vector<16xf32>,
      %parallel_loop3A_289 = vector.bitcast %parallel_loop3A_288 : vector<16xf32> to vector<16xi32>
      %parallel_loop3A_290 = arith.constant 0 : i32
      %parallel_loop3A_291 = vector.broadcast %parallel_loop3A_290 : i32 to vector<16xi32>
      %parallel_loop3A_292 = arith.maxsi %parallel_loop3A_289, %parallel_loop3A_291 : vector<16xi32>
      %parallel_loop3A_293 = arith.constant 4095 : i32
      %parallel_loop3A_294 = vector.broadcast %parallel_loop3A_293 : i32 to vector<16xi32>
      %parallel_loop3A_295 = arith.minsi %parallel_loop3A_292, %parallel_loop3A_294 : vector<16xi32>
      %parallel_loop3A_296 = tpu.vector_load_idx %arg5[%parallel_loop3A_295] : memref<4096xf32, #tpu.memory_space<vmem>>[vector<16xi32>], vector<16xf32>,
      %parallel_loop3A_297 = arith.index_cast %parallel_loop3A_281 : i32 to index
      %parallel_loop3A_298 = arith.index_cast %parallel_loop3A_285 : i32 to index
      %parallel_loop3A_299 = tpu.vector_load %arg8[%parallel_loop3A_297, %parallel_loop3A_298] {strides = array<i32>} : memref<8x4096xf32, #tpu.memory_space<vmem>>, vector<16xf32>,
      tpu.vector_store %arg8[%parallel_loop3A_297, %parallel_loop3A_298], %parallel_loop3A_296 {strides = array<i32>} : memref<8x4096xf32, #tpu.memory_space<vmem>>, vector<16xf32>,
    } {sc.loop_unroll_factor = 8 : i64, sc.parallel_access}
    %add3A_133 = arith.constant 40 : i32
    %add3A_134 = arith.addi %mul3A_2, %add3A_133 : i32
    %dma_start3A_135 = arith.constant 0 : i32
    %dma_start3A_136 = tpu.memref_slice %arg4[%add3A_134, %dma_start3A_135] : memref<3072x4096xf32, #tpu.memory_space<hbm>> -> memref<8x4096xf32, #tpu.memory_space<hbm>>
    %dma_start3A_137 = arith.constant 0 : i32
    %dma_start3A_138 = tpu.memref_slice %arg4[%add3A_134, %dma_start3A_137] : memref<3072x4096xf32, #tpu.memory_space<hbm>> -> memref<8x4096xf32, #tpu.memory_space<hbm>>
    tpu.enqueue_dma source(%arg8 : memref<8x4096xf32, #tpu.memory_space<vmem>>) target(%dma_start3A_138 : memref<8x4096xf32, #tpu.memory_space<hbm>>) target_semaphore(%arg11 : memref<!tpu.dma_semaphore, #tpu.memory_space<semaphore_mem>>)
    %dma_wait3A_139 = arith.constant 0 : i32
    %dma_wait3A_140 = tpu.memref_slice %arg2[%mul3A_2, %dma_wait3A_139] : memref<3072x4096xf32, #tpu.memory_space<hbm>> -> memref<8x4096xf32, #tpu.memory_space<hbm>>
    %dma_wait3A_141 = arith.constant 0 : i32
    %dma_wait3A_142 = tpu.memref_slice %arg2[%mul3A_2, %dma_wait3A_141] : memref<3072x4096xf32, #tpu.memory_space<hbm>> -> memref<8x4096xf32, #tpu.memory_space<hbm>>
    tpu.wait_dma2 semaphore(%arg10 : memref<!tpu.dma_semaphore, #tpu.memory_space<semaphore_mem>>) src(%dma_wait3A_142 : memref<8x4096xf32, #tpu.memory_space<hbm>>) dst(%arg7 : memref<8x4096xf32, #tpu.memory_space<vmem>>)
    %add3A_143 = arith.constant 56 : i32
    %add3A_144 = arith.addi %mul3A_2, %add3A_143 : i32
    %dma_start3A_145 = arith.constant 0 : i32
    %dma_start3A_146 = tpu.memref_slice %arg2[%add3A_144, %dma_start3A_145] : memref<3072x4096xf32, #tpu.memory_space<hbm>> -> memref<8x4096xf32, #tpu.memory_space<hbm>>
    %dma_start3A_147 = arith.constant 0 : i32
    %dma_start3A_148 = tpu.memref_slice %arg2[%add3A_144, %dma_start3A_147] : memref<3072x4096xf32, #tpu.memory_space<hbm>> -> memref<8x4096xf32, #tpu.memory_space<hbm>>
    tpu.enqueue_dma source(%dma_start3A_148 : memref<8x4096xf32, #tpu.memory_space<hbm>>) target(%arg7 : memref<8x4096xf32, #tpu.memory_space<vmem>>) target_semaphore(%arg10 : memref<!tpu.dma_semaphore, #tpu.memory_space<semaphore_mem>>)
    %dma_wait3A_149 = arith.constant 0 : i32
    %dma_wait3A_150 = tpu.memref_slice %arg2[%mul3A_2, %dma_wait3A_149] : memref<3072x4096xf32, #tpu.memory_space<hbm>> -> memref<8x4096xf32, #tpu.memory_space<hbm>>
    %dma_wait3A_151 = arith.constant 0 : i32
    %dma_wait3A_152 = tpu.memref_slice %arg2[%mul3A_2, %dma_wait3A_151] : memref<3072x4096xf32, #tpu.memory_space<hbm>> -> memref<8x4096xf32, #tpu.memory_space<hbm>>
    tpu.wait_dma2 semaphore(%arg9 : memref<!tpu.dma_semaphore, #tpu.memory_space<semaphore_mem>>) src(%dma_wait3A_152 : memref<8x4096xf32, #tpu.memory_space<hbm>>) dst(%arg6 : memref<8x4096xf32, #tpu.memory_space<vmem>>)
    %parallel_loop3A_153 = arith.constant 0 : i32
    %parallel_loop3A_154 = arith.constant 2048 : i32
    %parallel_loop3A_155 = arith.constant 1 : i32
    scf.for %parallel_loop3A_279 = %parallel_loop3A_153 to %parallel_loop3A_154 step %parallel_loop3A_155  : i32 {
      %parallel_loop3A_280 = arith.constant 8 : i32
      %parallel_loop3A_281 = arith.shrsi %parallel_loop3A_279, %parallel_loop3A_280 : i32
      %parallel_loop3A_282 = arith.constant 255 : i32
      %parallel_loop3A_283 = arith.andi %parallel_loop3A_279, %parallel_loop3A_282 : i32
      %parallel_loop3A_284 = arith.constant 16 : i32
      %parallel_loop3A_285 = arith.muli %parallel_loop3A_283, %parallel_loop3A_284 : i32
      %parallel_loop3A_286 = arith.index_cast %parallel_loop3A_281 : i32 to index
      %parallel_loop3A_287 = arith.index_cast %parallel_loop3A_285 : i32 to index
      %parallel_loop3A_288 = tpu.vector_load %arg6[%parallel_loop3A_286, %parallel_loop3A_287] {strides = array<i32>} : memref<8x4096xf32, #tpu.memory_space<vmem>>, vector<16xf32>,
      %parallel_loop3A_289 = vector.bitcast %parallel_loop3A_288 : vector<16xf32> to vector<16xi32>
      %parallel_loop3A_290 = arith.constant 0 : i32
      %parallel_loop3A_291 = vector.broadcast %parallel_loop3A_290 : i32 to vector<16xi32>
      %parallel_loop3A_292 = arith.maxsi %parallel_loop3A_289, %parallel_loop3A_291 : vector<16xi32>
      %parallel_loop3A_293 = arith.constant 4095 : i32
      %parallel_loop3A_294 = vector.broadcast %parallel_loop3A_293 : i32 to vector<16xi32>
      %parallel_loop3A_295 = arith.minsi %parallel_loop3A_292, %parallel_loop3A_294 : vector<16xi32>
      %parallel_loop3A_296 = tpu.vector_load_idx %arg5[%parallel_loop3A_295] : memref<4096xf32, #tpu.memory_space<vmem>>[vector<16xi32>], vector<16xf32>,
      %parallel_loop3A_297 = arith.index_cast %parallel_loop3A_281 : i32 to index
      %parallel_loop3A_298 = arith.index_cast %parallel_loop3A_285 : i32 to index
      %parallel_loop3A_299 = tpu.vector_load %arg6[%parallel_loop3A_297, %parallel_loop3A_298] {strides = array<i32>} : memref<8x4096xf32, #tpu.memory_space<vmem>>, vector<16xf32>,
      tpu.vector_store %arg6[%parallel_loop3A_297, %parallel_loop3A_298], %parallel_loop3A_296 {strides = array<i32>} : memref<8x4096xf32, #tpu.memory_space<vmem>>, vector<16xf32>,
    } {sc.loop_unroll_factor = 8 : i64, sc.parallel_access}
    %add3A_156 = arith.constant 48 : i32
    %add3A_157 = arith.addi %mul3A_2, %add3A_156 : i32
    %dma_start3A_158 = arith.constant 0 : i32
    %dma_start3A_159 = tpu.memref_slice %arg4[%add3A_157, %dma_start3A_158] : memref<3072x4096xf32, #tpu.memory_space<hbm>> -> memref<8x4096xf32, #tpu.memory_space<hbm>>
    %dma_start3A_160 = arith.constant 0 : i32
    %dma_start3A_161 = tpu.memref_slice %arg4[%add3A_157, %dma_start3A_160] : memref<3072x4096xf32, #tpu.memory_space<hbm>> -> memref<8x4096xf32, #tpu.memory_space<hbm>>
    tpu.enqueue_dma source(%arg6 : memref<8x4096xf32, #tpu.memory_space<vmem>>) target(%dma_start3A_161 : memref<8x4096xf32, #tpu.memory_space<hbm>>) target_semaphore(%arg9 : memref<!tpu.dma_semaphore, #tpu.memory_space<semaphore_mem>>)
    %dma_wait3A_162 = arith.constant 0 : i32
    %dma_wait3A_163 = tpu.memref_slice %arg2[%mul3A_2, %dma_wait3A_162] : memref<3072x4096xf32, #tpu.memory_space<hbm>> -> memref<8x4096xf32, #tpu.memory_space<hbm>>
    %dma_wait3A_164 = arith.constant 0 : i32
    %dma_wait3A_165 = tpu.memref_slice %arg2[%mul3A_2, %dma_wait3A_164] : memref<3072x4096xf32, #tpu.memory_space<hbm>> -> memref<8x4096xf32, #tpu.memory_space<hbm>>
    tpu.wait_dma2 semaphore(%arg11 : memref<!tpu.dma_semaphore, #tpu.memory_space<semaphore_mem>>) src(%dma_wait3A_165 : memref<8x4096xf32, #tpu.memory_space<hbm>>) dst(%arg8 : memref<8x4096xf32, #tpu.memory_space<vmem>>)
    %add3A_166 = arith.constant 64 : i32
    %add3A_167 = arith.addi %mul3A_2, %add3A_166 : i32
    %dma_start3A_168 = arith.constant 0 : i32
    %dma_start3A_169 = tpu.memref_slice %arg2[%add3A_167, %dma_start3A_168] : memref<3072x4096xf32, #tpu.memory_space<hbm>> -> memref<8x4096xf32, #tpu.memory_space<hbm>>
    %dma_start3A_170 = arith.constant 0 : i32
    %dma_start3A_171 = tpu.memref_slice %arg2[%add3A_167, %dma_start3A_170] : memref<3072x4096xf32, #tpu.memory_space<hbm>> -> memref<8x4096xf32, #tpu.memory_space<hbm>>
    tpu.enqueue_dma source(%dma_start3A_171 : memref<8x4096xf32, #tpu.memory_space<hbm>>) target(%arg8 : memref<8x4096xf32, #tpu.memory_space<vmem>>) target_semaphore(%arg11 : memref<!tpu.dma_semaphore, #tpu.memory_space<semaphore_mem>>)
    %dma_wait3A_172 = arith.constant 0 : i32
    %dma_wait3A_173 = tpu.memref_slice %arg2[%mul3A_2, %dma_wait3A_172] : memref<3072x4096xf32, #tpu.memory_space<hbm>> -> memref<8x4096xf32, #tpu.memory_space<hbm>>
    %dma_wait3A_174 = arith.constant 0 : i32
    %dma_wait3A_175 = tpu.memref_slice %arg2[%mul3A_2, %dma_wait3A_174] : memref<3072x4096xf32, #tpu.memory_space<hbm>> -> memref<8x4096xf32, #tpu.memory_space<hbm>>
    tpu.wait_dma2 semaphore(%arg10 : memref<!tpu.dma_semaphore, #tpu.memory_space<semaphore_mem>>) src(%dma_wait3A_175 : memref<8x4096xf32, #tpu.memory_space<hbm>>) dst(%arg7 : memref<8x4096xf32, #tpu.memory_space<vmem>>)
    %parallel_loop3A_176 = arith.constant 0 : i32
    %parallel_loop3A_177 = arith.constant 2048 : i32
    %parallel_loop3A_178 = arith.constant 1 : i32
    scf.for %parallel_loop3A_279 = %parallel_loop3A_176 to %parallel_loop3A_177 step %parallel_loop3A_178  : i32 {
      %parallel_loop3A_280 = arith.constant 8 : i32
      %parallel_loop3A_281 = arith.shrsi %parallel_loop3A_279, %parallel_loop3A_280 : i32
      %parallel_loop3A_282 = arith.constant 255 : i32
      %parallel_loop3A_283 = arith.andi %parallel_loop3A_279, %parallel_loop3A_282 : i32
      %parallel_loop3A_284 = arith.constant 16 : i32
      %parallel_loop3A_285 = arith.muli %parallel_loop3A_283, %parallel_loop3A_284 : i32
      %parallel_loop3A_286 = arith.index_cast %parallel_loop3A_281 : i32 to index
      %parallel_loop3A_287 = arith.index_cast %parallel_loop3A_285 : i32 to index
      %parallel_loop3A_288 = tpu.vector_load %arg7[%parallel_loop3A_286, %parallel_loop3A_287] {strides = array<i32>} : memref<8x4096xf32, #tpu.memory_space<vmem>>, vector<16xf32>,
      %parallel_loop3A_289 = vector.bitcast %parallel_loop3A_288 : vector<16xf32> to vector<16xi32>
      %parallel_loop3A_290 = arith.constant 0 : i32
      %parallel_loop3A_291 = vector.broadcast %parallel_loop3A_290 : i32 to vector<16xi32>
      %parallel_loop3A_292 = arith.maxsi %parallel_loop3A_289, %parallel_loop3A_291 : vector<16xi32>
      %parallel_loop3A_293 = arith.constant 4095 : i32
      %parallel_loop3A_294 = vector.broadcast %parallel_loop3A_293 : i32 to vector<16xi32>
      %parallel_loop3A_295 = arith.minsi %parallel_loop3A_292, %parallel_loop3A_294 : vector<16xi32>
      %parallel_loop3A_296 = tpu.vector_load_idx %arg5[%parallel_loop3A_295] : memref<4096xf32, #tpu.memory_space<vmem>>[vector<16xi32>], vector<16xf32>,
      %parallel_loop3A_297 = arith.index_cast %parallel_loop3A_281 : i32 to index
      %parallel_loop3A_298 = arith.index_cast %parallel_loop3A_285 : i32 to index
      %parallel_loop3A_299 = tpu.vector_load %arg7[%parallel_loop3A_297, %parallel_loop3A_298] {strides = array<i32>} : memref<8x4096xf32, #tpu.memory_space<vmem>>, vector<16xf32>,
      tpu.vector_store %arg7[%parallel_loop3A_297, %parallel_loop3A_298], %parallel_loop3A_296 {strides = array<i32>} : memref<8x4096xf32, #tpu.memory_space<vmem>>, vector<16xf32>,
    } {sc.loop_unroll_factor = 8 : i64, sc.parallel_access}
    %add3A_179 = arith.constant 56 : i32
    %add3A_180 = arith.addi %mul3A_2, %add3A_179 : i32
    %dma_start3A_181 = arith.constant 0 : i32
    %dma_start3A_182 = tpu.memref_slice %arg4[%add3A_180, %dma_start3A_181] : memref<3072x4096xf32, #tpu.memory_space<hbm>> -> memref<8x4096xf32, #tpu.memory_space<hbm>>
    %dma_start3A_183 = arith.constant 0 : i32
    %dma_start3A_184 = tpu.memref_slice %arg4[%add3A_180, %dma_start3A_183] : memref<3072x4096xf32, #tpu.memory_space<hbm>> -> memref<8x4096xf32, #tpu.memory_space<hbm>>
    tpu.enqueue_dma source(%arg7 : memref<8x4096xf32, #tpu.memory_space<vmem>>) target(%dma_start3A_184 : memref<8x4096xf32, #tpu.memory_space<hbm>>) target_semaphore(%arg10 : memref<!tpu.dma_semaphore, #tpu.memory_space<semaphore_mem>>)
    %dma_wait3A_185 = arith.constant 0 : i32
    %dma_wait3A_186 = tpu.memref_slice %arg2[%mul3A_2, %dma_wait3A_185] : memref<3072x4096xf32, #tpu.memory_space<hbm>> -> memref<8x4096xf32, #tpu.memory_space<hbm>>
    %dma_wait3A_187 = arith.constant 0 : i32
    %dma_wait3A_188 = tpu.memref_slice %arg2[%mul3A_2, %dma_wait3A_187] : memref<3072x4096xf32, #tpu.memory_space<hbm>> -> memref<8x4096xf32, #tpu.memory_space<hbm>>
    tpu.wait_dma2 semaphore(%arg9 : memref<!tpu.dma_semaphore, #tpu.memory_space<semaphore_mem>>) src(%dma_wait3A_188 : memref<8x4096xf32, #tpu.memory_space<hbm>>) dst(%arg6 : memref<8x4096xf32, #tpu.memory_space<vmem>>)
    %add3A_189 = arith.constant 72 : i32
    %add3A_190 = arith.addi %mul3A_2, %add3A_189 : i32
    %dma_start3A_191 = arith.constant 0 : i32
    %dma_start3A_192 = tpu.memref_slice %arg2[%add3A_190, %dma_start3A_191] : memref<3072x4096xf32, #tpu.memory_space<hbm>> -> memref<8x4096xf32, #tpu.memory_space<hbm>>
    %dma_start3A_193 = arith.constant 0 : i32
    %dma_start3A_194 = tpu.memref_slice %arg2[%add3A_190, %dma_start3A_193] : memref<3072x4096xf32, #tpu.memory_space<hbm>> -> memref<8x4096xf32, #tpu.memory_space<hbm>>
    tpu.enqueue_dma source(%dma_start3A_194 : memref<8x4096xf32, #tpu.memory_space<hbm>>) target(%arg6 : memref<8x4096xf32, #tpu.memory_space<vmem>>) target_semaphore(%arg9 : memref<!tpu.dma_semaphore, #tpu.memory_space<semaphore_mem>>)
    %dma_wait3A_195 = arith.constant 0 : i32
    %dma_wait3A_196 = tpu.memref_slice %arg2[%mul3A_2, %dma_wait3A_195] : memref<3072x4096xf32, #tpu.memory_space<hbm>> -> memref<8x4096xf32, #tpu.memory_space<hbm>>
    %dma_wait3A_197 = arith.constant 0 : i32
    %dma_wait3A_198 = tpu.memref_slice %arg2[%mul3A_2, %dma_wait3A_197] : memref<3072x4096xf32, #tpu.memory_space<hbm>> -> memref<8x4096xf32, #tpu.memory_space<hbm>>
    tpu.wait_dma2 semaphore(%arg11 : memref<!tpu.dma_semaphore, #tpu.memory_space<semaphore_mem>>) src(%dma_wait3A_198 : memref<8x4096xf32, #tpu.memory_space<hbm>>) dst(%arg8 : memref<8x4096xf32, #tpu.memory_space<vmem>>)
    %parallel_loop3A_199 = arith.constant 0 : i32
    %parallel_loop3A_200 = arith.constant 2048 : i32
    %parallel_loop3A_201 = arith.constant 1 : i32
    scf.for %parallel_loop3A_279 = %parallel_loop3A_199 to %parallel_loop3A_200 step %parallel_loop3A_201  : i32 {
      %parallel_loop3A_280 = arith.constant 8 : i32
      %parallel_loop3A_281 = arith.shrsi %parallel_loop3A_279, %parallel_loop3A_280 : i32
      %parallel_loop3A_282 = arith.constant 255 : i32
      %parallel_loop3A_283 = arith.andi %parallel_loop3A_279, %parallel_loop3A_282 : i32
      %parallel_loop3A_284 = arith.constant 16 : i32
      %parallel_loop3A_285 = arith.muli %parallel_loop3A_283, %parallel_loop3A_284 : i32
      %parallel_loop3A_286 = arith.index_cast %parallel_loop3A_281 : i32 to index
      %parallel_loop3A_287 = arith.index_cast %parallel_loop3A_285 : i32 to index
      %parallel_loop3A_288 = tpu.vector_load %arg8[%parallel_loop3A_286, %parallel_loop3A_287] {strides = array<i32>} : memref<8x4096xf32, #tpu.memory_space<vmem>>, vector<16xf32>,
      %parallel_loop3A_289 = vector.bitcast %parallel_loop3A_288 : vector<16xf32> to vector<16xi32>
      %parallel_loop3A_290 = arith.constant 0 : i32
      %parallel_loop3A_291 = vector.broadcast %parallel_loop3A_290 : i32 to vector<16xi32>
      %parallel_loop3A_292 = arith.maxsi %parallel_loop3A_289, %parallel_loop3A_291 : vector<16xi32>
      %parallel_loop3A_293 = arith.constant 4095 : i32
      %parallel_loop3A_294 = vector.broadcast %parallel_loop3A_293 : i32 to vector<16xi32>
      %parallel_loop3A_295 = arith.minsi %parallel_loop3A_292, %parallel_loop3A_294 : vector<16xi32>
      %parallel_loop3A_296 = tpu.vector_load_idx %arg5[%parallel_loop3A_295] : memref<4096xf32, #tpu.memory_space<vmem>>[vector<16xi32>], vector<16xf32>,
      %parallel_loop3A_297 = arith.index_cast %parallel_loop3A_281 : i32 to index
      %parallel_loop3A_298 = arith.index_cast %parallel_loop3A_285 : i32 to index
      %parallel_loop3A_299 = tpu.vector_load %arg8[%parallel_loop3A_297, %parallel_loop3A_298] {strides = array<i32>} : memref<8x4096xf32, #tpu.memory_space<vmem>>, vector<16xf32>,
      tpu.vector_store %arg8[%parallel_loop3A_297, %parallel_loop3A_298], %parallel_loop3A_296 {strides = array<i32>} : memref<8x4096xf32, #tpu.memory_space<vmem>>, vector<16xf32>,
    } {sc.loop_unroll_factor = 8 : i64, sc.parallel_access}
    %add3A_202 = arith.constant 64 : i32
    %add3A_203 = arith.addi %mul3A_2, %add3A_202 : i32
    %dma_start3A_204 = arith.constant 0 : i32
    %dma_start3A_205 = tpu.memref_slice %arg4[%add3A_203, %dma_start3A_204] : memref<3072x4096xf32, #tpu.memory_space<hbm>> -> memref<8x4096xf32, #tpu.memory_space<hbm>>
    %dma_start3A_206 = arith.constant 0 : i32
    %dma_start3A_207 = tpu.memref_slice %arg4[%add3A_203, %dma_start3A_206] : memref<3072x4096xf32, #tpu.memory_space<hbm>> -> memref<8x4096xf32, #tpu.memory_space<hbm>>
    tpu.enqueue_dma source(%arg8 : memref<8x4096xf32, #tpu.memory_space<vmem>>) target(%dma_start3A_207 : memref<8x4096xf32, #tpu.memory_space<hbm>>) target_semaphore(%arg11 : memref<!tpu.dma_semaphore, #tpu.memory_space<semaphore_mem>>)
    %dma_wait3A_208 = arith.constant 0 : i32
    %dma_wait3A_209 = tpu.memref_slice %arg2[%mul3A_2, %dma_wait3A_208] : memref<3072x4096xf32, #tpu.memory_space<hbm>> -> memref<8x4096xf32, #tpu.memory_space<hbm>>
    %dma_wait3A_210 = arith.constant 0 : i32
    %dma_wait3A_211 = tpu.memref_slice %arg2[%mul3A_2, %dma_wait3A_210] : memref<3072x4096xf32, #tpu.memory_space<hbm>> -> memref<8x4096xf32, #tpu.memory_space<hbm>>
    tpu.wait_dma2 semaphore(%arg10 : memref<!tpu.dma_semaphore, #tpu.memory_space<semaphore_mem>>) src(%dma_wait3A_211 : memref<8x4096xf32, #tpu.memory_space<hbm>>) dst(%arg7 : memref<8x4096xf32, #tpu.memory_space<vmem>>)
    %add3A_212 = arith.constant 80 : i32
    %add3A_213 = arith.addi %mul3A_2, %add3A_212 : i32
    %dma_start3A_214 = arith.constant 0 : i32
    %dma_start3A_215 = tpu.memref_slice %arg2[%add3A_213, %dma_start3A_214] : memref<3072x4096xf32, #tpu.memory_space<hbm>> -> memref<8x4096xf32, #tpu.memory_space<hbm>>
    %dma_start3A_216 = arith.constant 0 : i32
    %dma_start3A_217 = tpu.memref_slice %arg2[%add3A_213, %dma_start3A_216] : memref<3072x4096xf32, #tpu.memory_space<hbm>> -> memref<8x4096xf32, #tpu.memory_space<hbm>>
    tpu.enqueue_dma source(%dma_start3A_217 : memref<8x4096xf32, #tpu.memory_space<hbm>>) target(%arg7 : memref<8x4096xf32, #tpu.memory_space<vmem>>) target_semaphore(%arg10 : memref<!tpu.dma_semaphore, #tpu.memory_space<semaphore_mem>>)
    %dma_wait3A_218 = arith.constant 0 : i32
    %dma_wait3A_219 = tpu.memref_slice %arg2[%mul3A_2, %dma_wait3A_218] : memref<3072x4096xf32, #tpu.memory_space<hbm>> -> memref<8x4096xf32, #tpu.memory_space<hbm>>
    %dma_wait3A_220 = arith.constant 0 : i32
    %dma_wait3A_221 = tpu.memref_slice %arg2[%mul3A_2, %dma_wait3A_220] : memref<3072x4096xf32, #tpu.memory_space<hbm>> -> memref<8x4096xf32, #tpu.memory_space<hbm>>
    tpu.wait_dma2 semaphore(%arg9 : memref<!tpu.dma_semaphore, #tpu.memory_space<semaphore_mem>>) src(%dma_wait3A_221 : memref<8x4096xf32, #tpu.memory_space<hbm>>) dst(%arg6 : memref<8x4096xf32, #tpu.memory_space<vmem>>)
    %parallel_loop3A_222 = arith.constant 0 : i32
    %parallel_loop3A_223 = arith.constant 2048 : i32
    %parallel_loop3A_224 = arith.constant 1 : i32
    scf.for %parallel_loop3A_279 = %parallel_loop3A_222 to %parallel_loop3A_223 step %parallel_loop3A_224  : i32 {
      %parallel_loop3A_280 = arith.constant 8 : i32
      %parallel_loop3A_281 = arith.shrsi %parallel_loop3A_279, %parallel_loop3A_280 : i32
      %parallel_loop3A_282 = arith.constant 255 : i32
      %parallel_loop3A_283 = arith.andi %parallel_loop3A_279, %parallel_loop3A_282 : i32
      %parallel_loop3A_284 = arith.constant 16 : i32
      %parallel_loop3A_285 = arith.muli %parallel_loop3A_283, %parallel_loop3A_284 : i32
      %parallel_loop3A_286 = arith.index_cast %parallel_loop3A_281 : i32 to index
      %parallel_loop3A_287 = arith.index_cast %parallel_loop3A_285 : i32 to index
      %parallel_loop3A_288 = tpu.vector_load %arg6[%parallel_loop3A_286, %parallel_loop3A_287] {strides = array<i32>} : memref<8x4096xf32, #tpu.memory_space<vmem>>, vector<16xf32>,
      %parallel_loop3A_289 = vector.bitcast %parallel_loop3A_288 : vector<16xf32> to vector<16xi32>
      %parallel_loop3A_290 = arith.constant 0 : i32
      %parallel_loop3A_291 = vector.broadcast %parallel_loop3A_290 : i32 to vector<16xi32>
      %parallel_loop3A_292 = arith.maxsi %parallel_loop3A_289, %parallel_loop3A_291 : vector<16xi32>
      %parallel_loop3A_293 = arith.constant 4095 : i32
      %parallel_loop3A_294 = vector.broadcast %parallel_loop3A_293 : i32 to vector<16xi32>
      %parallel_loop3A_295 = arith.minsi %parallel_loop3A_292, %parallel_loop3A_294 : vector<16xi32>
      %parallel_loop3A_296 = tpu.vector_load_idx %arg5[%parallel_loop3A_295] : memref<4096xf32, #tpu.memory_space<vmem>>[vector<16xi32>], vector<16xf32>,
      %parallel_loop3A_297 = arith.index_cast %parallel_loop3A_281 : i32 to index
      %parallel_loop3A_298 = arith.index_cast %parallel_loop3A_285 : i32 to index
      %parallel_loop3A_299 = tpu.vector_load %arg6[%parallel_loop3A_297, %parallel_loop3A_298] {strides = array<i32>} : memref<8x4096xf32, #tpu.memory_space<vmem>>, vector<16xf32>,
      tpu.vector_store %arg6[%parallel_loop3A_297, %parallel_loop3A_298], %parallel_loop3A_296 {strides = array<i32>} : memref<8x4096xf32, #tpu.memory_space<vmem>>, vector<16xf32>,
    } {sc.loop_unroll_factor = 8 : i64, sc.parallel_access}
    %add3A_225 = arith.constant 72 : i32
    %add3A_226 = arith.addi %mul3A_2, %add3A_225 : i32
    %dma_start3A_227 = arith.constant 0 : i32
    %dma_start3A_228 = tpu.memref_slice %arg4[%add3A_226, %dma_start3A_227] : memref<3072x4096xf32, #tpu.memory_space<hbm>> -> memref<8x4096xf32, #tpu.memory_space<hbm>>
    %dma_start3A_229 = arith.constant 0 : i32
    %dma_start3A_230 = tpu.memref_slice %arg4[%add3A_226, %dma_start3A_229] : memref<3072x4096xf32, #tpu.memory_space<hbm>> -> memref<8x4096xf32, #tpu.memory_space<hbm>>
    tpu.enqueue_dma source(%arg6 : memref<8x4096xf32, #tpu.memory_space<vmem>>) target(%dma_start3A_230 : memref<8x4096xf32, #tpu.memory_space<hbm>>) target_semaphore(%arg9 : memref<!tpu.dma_semaphore, #tpu.memory_space<semaphore_mem>>)
    %dma_wait3A_231 = arith.constant 0 : i32
    %dma_wait3A_232 = tpu.memref_slice %arg2[%mul3A_2, %dma_wait3A_231] : memref<3072x4096xf32, #tpu.memory_space<hbm>> -> memref<8x4096xf32, #tpu.memory_space<hbm>>
    %dma_wait3A_233 = arith.constant 0 : i32
    %dma_wait3A_234 = tpu.memref_slice %arg2[%mul3A_2, %dma_wait3A_233] : memref<3072x4096xf32, #tpu.memory_space<hbm>> -> memref<8x4096xf32, #tpu.memory_space<hbm>>
    tpu.wait_dma2 semaphore(%arg11 : memref<!tpu.dma_semaphore, #tpu.memory_space<semaphore_mem>>) src(%dma_wait3A_234 : memref<8x4096xf32, #tpu.memory_space<hbm>>) dst(%arg8 : memref<8x4096xf32, #tpu.memory_space<vmem>>)
    %add3A_235 = arith.constant 88 : i32
    %add3A_236 = arith.addi %mul3A_2, %add3A_235 : i32
    %dma_start3A_237 = arith.constant 0 : i32
    %dma_start3A_238 = tpu.memref_slice %arg2[%add3A_236, %dma_start3A_237] : memref<3072x4096xf32, #tpu.memory_space<hbm>> -> memref<8x4096xf32, #tpu.memory_space<hbm>>
    %dma_start3A_239 = arith.constant 0 : i32
    %dma_start3A_240 = tpu.memref_slice %arg2[%add3A_236, %dma_start3A_239] : memref<3072x4096xf32, #tpu.memory_space<hbm>> -> memref<8x4096xf32, #tpu.memory_space<hbm>>
    tpu.enqueue_dma source(%dma_start3A_240 : memref<8x4096xf32, #tpu.memory_space<hbm>>) target(%arg8 : memref<8x4096xf32, #tpu.memory_space<vmem>>) target_semaphore(%arg11 : memref<!tpu.dma_semaphore, #tpu.memory_space<semaphore_mem>>)
    %dma_wait3A_241 = arith.constant 0 : i32
    %dma_wait3A_242 = tpu.memref_slice %arg2[%mul3A_2, %dma_wait3A_241] : memref<3072x4096xf32, #tpu.memory_space<hbm>> -> memref<8x4096xf32, #tpu.memory_space<hbm>>
    %dma_wait3A_243 = arith.constant 0 : i32
    %dma_wait3A_244 = tpu.memref_slice %arg2[%mul3A_2, %dma_wait3A_243] : memref<3072x4096xf32, #tpu.memory_space<hbm>> -> memref<8x4096xf32, #tpu.memory_space<hbm>>
    tpu.wait_dma2 semaphore(%arg10 : memref<!tpu.dma_semaphore, #tpu.memory_space<semaphore_mem>>) src(%dma_wait3A_244 : memref<8x4096xf32, #tpu.memory_space<hbm>>) dst(%arg7 : memref<8x4096xf32, #tpu.memory_space<vmem>>)
    %parallel_loop3A_245 = arith.constant 0 : i32
    %parallel_loop3A_246 = arith.constant 2048 : i32
    %parallel_loop3A_247 = arith.constant 1 : i32
    scf.for %parallel_loop3A_279 = %parallel_loop3A_245 to %parallel_loop3A_246 step %parallel_loop3A_247  : i32 {
      %parallel_loop3A_280 = arith.constant 8 : i32
      %parallel_loop3A_281 = arith.shrsi %parallel_loop3A_279, %parallel_loop3A_280 : i32
      %parallel_loop3A_282 = arith.constant 255 : i32
      %parallel_loop3A_283 = arith.andi %parallel_loop3A_279, %parallel_loop3A_282 : i32
      %parallel_loop3A_284 = arith.constant 16 : i32
      %parallel_loop3A_285 = arith.muli %parallel_loop3A_283, %parallel_loop3A_284 : i32
      %parallel_loop3A_286 = arith.index_cast %parallel_loop3A_281 : i32 to index
      %parallel_loop3A_287 = arith.index_cast %parallel_loop3A_285 : i32 to index
      %parallel_loop3A_288 = tpu.vector_load %arg7[%parallel_loop3A_286, %parallel_loop3A_287] {strides = array<i32>} : memref<8x4096xf32, #tpu.memory_space<vmem>>, vector<16xf32>,
      %parallel_loop3A_289 = vector.bitcast %parallel_loop3A_288 : vector<16xf32> to vector<16xi32>
      %parallel_loop3A_290 = arith.constant 0 : i32
      %parallel_loop3A_291 = vector.broadcast %parallel_loop3A_290 : i32 to vector<16xi32>
      %parallel_loop3A_292 = arith.maxsi %parallel_loop3A_289, %parallel_loop3A_291 : vector<16xi32>
      %parallel_loop3A_293 = arith.constant 4095 : i32
      %parallel_loop3A_294 = vector.broadcast %parallel_loop3A_293 : i32 to vector<16xi32>
      %parallel_loop3A_295 = arith.minsi %parallel_loop3A_292, %parallel_loop3A_294 : vector<16xi32>
      %parallel_loop3A_296 = tpu.vector_load_idx %arg5[%parallel_loop3A_295] : memref<4096xf32, #tpu.memory_space<vmem>>[vector<16xi32>], vector<16xf32>,
      %parallel_loop3A_297 = arith.index_cast %parallel_loop3A_281 : i32 to index
      %parallel_loop3A_298 = arith.index_cast %parallel_loop3A_285 : i32 to index
      %parallel_loop3A_299 = tpu.vector_load %arg7[%parallel_loop3A_297, %parallel_loop3A_298] {strides = array<i32>} : memref<8x4096xf32, #tpu.memory_space<vmem>>, vector<16xf32>,
      tpu.vector_store %arg7[%parallel_loop3A_297, %parallel_loop3A_298], %parallel_loop3A_296 {strides = array<i32>} : memref<8x4096xf32, #tpu.memory_space<vmem>>, vector<16xf32>,
    } {sc.loop_unroll_factor = 8 : i64, sc.parallel_access}
    %add3A_248 = arith.constant 80 : i32
    %add3A_249 = arith.addi %mul3A_2, %add3A_248 : i32
    %dma_start3A_250 = arith.constant 0 : i32
    %dma_start3A_251 = tpu.memref_slice %arg4[%add3A_249, %dma_start3A_250] : memref<3072x4096xf32, #tpu.memory_space<hbm>> -> memref<8x4096xf32, #tpu.memory_space<hbm>>
    %dma_start3A_252 = arith.constant 0 : i32
    %dma_start3A_253 = tpu.memref_slice %arg4[%add3A_249, %dma_start3A_252] : memref<3072x4096xf32, #tpu.memory_space<hbm>> -> memref<8x4096xf32, #tpu.memory_space<hbm>>
    tpu.enqueue_dma source(%arg7 : memref<8x4096xf32, #tpu.memory_space<vmem>>) target(%dma_start3A_253 : memref<8x4096xf32, #tpu.memory_space<hbm>>) target_semaphore(%arg10 : memref<!tpu.dma_semaphore, #tpu.memory_space<semaphore_mem>>)
    %dma_wait3A_254 = arith.constant 0 : i32
    %dma_wait3A_255 = tpu.memref_slice %arg2[%mul3A_2, %dma_wait3A_254] : memref<3072x4096xf32, #tpu.memory_space<hbm>> -> memref<8x4096xf32, #tpu.memory_space<hbm>>
    %dma_wait3A_256 = arith.constant 0 : i32
    %dma_wait3A_257 = tpu.memref_slice %arg2[%mul3A_2, %dma_wait3A_256] : memref<3072x4096xf32, #tpu.memory_space<hbm>> -> memref<8x4096xf32, #tpu.memory_space<hbm>>
    tpu.wait_dma2 semaphore(%arg11 : memref<!tpu.dma_semaphore, #tpu.memory_space<semaphore_mem>>) src(%dma_wait3A_257 : memref<8x4096xf32, #tpu.memory_space<hbm>>) dst(%arg8 : memref<8x4096xf32, #tpu.memory_space<vmem>>)
    %parallel_loop3A_258 = arith.constant 0 : i32
    %parallel_loop3A_259 = arith.constant 2048 : i32
    %parallel_loop3A_260 = arith.constant 1 : i32
    scf.for %parallel_loop3A_279 = %parallel_loop3A_258 to %parallel_loop3A_259 step %parallel_loop3A_260  : i32 {
      %parallel_loop3A_280 = arith.constant 8 : i32
      %parallel_loop3A_281 = arith.shrsi %parallel_loop3A_279, %parallel_loop3A_280 : i32
      %parallel_loop3A_282 = arith.constant 255 : i32
      %parallel_loop3A_283 = arith.andi %parallel_loop3A_279, %parallel_loop3A_282 : i32
      %parallel_loop3A_284 = arith.constant 16 : i32
      %parallel_loop3A_285 = arith.muli %parallel_loop3A_283, %parallel_loop3A_284 : i32
      %parallel_loop3A_286 = arith.index_cast %parallel_loop3A_281 : i32 to index
      %parallel_loop3A_287 = arith.index_cast %parallel_loop3A_285 : i32 to index
      %parallel_loop3A_288 = tpu.vector_load %arg8[%parallel_loop3A_286, %parallel_loop3A_287] {strides = array<i32>} : memref<8x4096xf32, #tpu.memory_space<vmem>>, vector<16xf32>,
      %parallel_loop3A_289 = vector.bitcast %parallel_loop3A_288 : vector<16xf32> to vector<16xi32>
      %parallel_loop3A_290 = arith.constant 0 : i32
      %parallel_loop3A_291 = vector.broadcast %parallel_loop3A_290 : i32 to vector<16xi32>
      %parallel_loop3A_292 = arith.maxsi %parallel_loop3A_289, %parallel_loop3A_291 : vector<16xi32>
      %parallel_loop3A_293 = arith.constant 4095 : i32
      %parallel_loop3A_294 = vector.broadcast %parallel_loop3A_293 : i32 to vector<16xi32>
      %parallel_loop3A_295 = arith.minsi %parallel_loop3A_292, %parallel_loop3A_294 : vector<16xi32>
      %parallel_loop3A_296 = tpu.vector_load_idx %arg5[%parallel_loop3A_295] : memref<4096xf32, #tpu.memory_space<vmem>>[vector<16xi32>], vector<16xf32>,
      %parallel_loop3A_297 = arith.index_cast %parallel_loop3A_281 : i32 to index
      %parallel_loop3A_298 = arith.index_cast %parallel_loop3A_285 : i32 to index
      %parallel_loop3A_299 = tpu.vector_load %arg8[%parallel_loop3A_297, %parallel_loop3A_298] {strides = array<i32>} : memref<8x4096xf32, #tpu.memory_space<vmem>>, vector<16xf32>,
      tpu.vector_store %arg8[%parallel_loop3A_297, %parallel_loop3A_298], %parallel_loop3A_296 {strides = array<i32>} : memref<8x4096xf32, #tpu.memory_space<vmem>>, vector<16xf32>,
    } {sc.loop_unroll_factor = 8 : i64, sc.parallel_access}
    %add3A_261 = arith.constant 88 : i32
    %add3A_262 = arith.addi %mul3A_2, %add3A_261 : i32
    %dma_start3A_263 = arith.constant 0 : i32
    %dma_start3A_264 = tpu.memref_slice %arg4[%add3A_262, %dma_start3A_263] : memref<3072x4096xf32, #tpu.memory_space<hbm>> -> memref<8x4096xf32, #tpu.memory_space<hbm>>
    %dma_start3A_265 = arith.constant 0 : i32
    %dma_start3A_266 = tpu.memref_slice %arg4[%add3A_262, %dma_start3A_265] : memref<3072x4096xf32, #tpu.memory_space<hbm>> -> memref<8x4096xf32, #tpu.memory_space<hbm>>
    tpu.enqueue_dma source(%arg8 : memref<8x4096xf32, #tpu.memory_space<vmem>>) target(%dma_start3A_266 : memref<8x4096xf32, #tpu.memory_space<hbm>>) target_semaphore(%arg11 : memref<!tpu.dma_semaphore, #tpu.memory_space<semaphore_mem>>)
    %dma_wait3A_267 = arith.constant 0 : i32
    %dma_wait3A_268 = tpu.memref_slice %arg2[%mul3A_2, %dma_wait3A_267] : memref<3072x4096xf32, #tpu.memory_space<hbm>> -> memref<8x4096xf32, #tpu.memory_space<hbm>>
    %dma_wait3A_269 = arith.constant 0 : i32
    %dma_wait3A_270 = tpu.memref_slice %arg2[%mul3A_2, %dma_wait3A_269] : memref<3072x4096xf32, #tpu.memory_space<hbm>> -> memref<8x4096xf32, #tpu.memory_space<hbm>>
    tpu.wait_dma2 semaphore(%arg9 : memref<!tpu.dma_semaphore, #tpu.memory_space<semaphore_mem>>) src(%dma_wait3A_270 : memref<8x4096xf32, #tpu.memory_space<hbm>>) dst(%arg6 : memref<8x4096xf32, #tpu.memory_space<vmem>>)
    %dma_wait3A_271 = arith.constant 0 : i32
    %dma_wait3A_272 = tpu.memref_slice %arg2[%mul3A_2, %dma_wait3A_271] : memref<3072x4096xf32, #tpu.memory_space<hbm>> -> memref<8x4096xf32, #tpu.memory_space<hbm>>
    %dma_wait3A_273 = arith.constant 0 : i32
    %dma_wait3A_274 = tpu.memref_slice %arg2[%mul3A_2, %dma_wait3A_273] : memref<3072x4096xf32, #tpu.memory_space<hbm>> -> memref<8x4096xf32, #tpu.memory_space<hbm>>
    tpu.wait_dma2 semaphore(%arg10 : memref<!tpu.dma_semaphore, #tpu.memory_space<semaphore_mem>>) src(%dma_wait3A_274 : memref<8x4096xf32, #tpu.memory_space<hbm>>) dst(%arg7 : memref<8x4096xf32, #tpu.memory_space<vmem>>)
    %dma_wait3A_275 = arith.constant 0 : i32
    %dma_wait3A_276 = tpu.memref_slice %arg2[%mul3A_2, %dma_wait3A_275] : memref<3072x4096xf32, #tpu.memory_space<hbm>> -> memref<8x4096xf32, #tpu.memory_space<hbm>>
    %dma_wait3A_277 = arith.constant 0 : i32
    %dma_wait3A_278 = tpu.memref_slice %arg2[%mul3A_2, %dma_wait3A_277] : memref<3072x4096xf32, #tpu.memory_space<hbm>> -> memref<8x4096xf32, #tpu.memory_space<hbm>>
    tpu.wait_dma2 semaphore(%arg11 : memref<!tpu.dma_semaphore, #tpu.memory_space<semaphore_mem>>) src(%dma_wait3A_278 : memref<8x4096xf32, #tpu.memory_space<hbm>>) dst(%arg8 : memref<8x4096xf32, #tpu.memory_space<vmem>>)
    return
  }
}

</mosaic_0001>

<sc_bundles>
// kernel: kernel.3.cloned.1.call-start
scs
__scs_entry_jumppad:
0x0: {  	(pc) =	sbr.rel $0x88, $3  }
0x1: {  	(tag) =	ssettag $0x0;
	lr =	simm.s32 $0x1  }
0x2: {  	[smem:$0x3F9F] =	sst lr;
	_ =	strace $0xD0000000  }
0x3: {  	_ = 	snop  }
0x4: {  	_ = 	snop  }
0x5: {  	_ = 	snop  }
0x6: {  	_ = 	snop  }
0x7: {  	_ = 	snop  }
__scs_overlays_trampoline_lowered:
0x8: {  	[smem:$0x3FAE] =	sst s0  }
0x9: {  	[smem:$0x3FAF] =	sst s1  }
0xa: {  	[smem:$0x3FB0] =	sst s2  }
0xb: {  	[smem:$0x3FB1] =	sst s3  }
0xc: {  	[smem:$0x3FB2] =	sst s4  }
0xd: {  	[smem:$0x3FB3] =	sst s5  }
0xe: {  	[smem:$0x3FB4] =	sst s6  }
0xf: {  	[smem:$0x3FB5] =	sst s7  }
0x10: {  	[smem:$0x3FB6] =	sst s8  }
0x11: {  	[smem:$0x3FB7] =	sst s9;
	s0 =	simm.s32 @!p0 $0x0  }
0x12: {  	s1 =	sld [smem:$0x3F9D];
	s0 =	simm.s32 @p0 $0x1  }
0x13: {  	[smem:$0x3FB8] =	sst s0;
	s0 =	simm.s32 @!p1 $0x0  }
0x14: {  	s2 =	sld [smem:$0x3F9C];
	s0 =	simm.s32 @p1 $0x1  }
0x15: {  	[smem:$0x3FB9] =	sst s0;
	s0 =	simm.s32 @!p2 $0x0  }
0x16: {  	s3 =	sld [smem:$0x3FDB];
	s0 =	simm.s32 @p2 $0x1  }
0x17: {  	s4 =	simm.s32 $0x1BF5;
	[smem:$0x3FBB] =	sst s0  }
0x18: {  	s0 =	sld [smem:$0x3F9E];
	_ =	swait.ge [sflag:s4], $0x0  }
0x19: {  	s7 =	sld [smem:$0x3F9F]  }
0x1a: {  	s8 =	sadd.s32 $0xFFFFE003, lr  }
0x1b: {  	s9 =	sadd.s32 $0xFFFFFEF7, lr;
	s5 =	simm.s32 $0xFFFFFFFF;
	p2 =	slt.u32 s8, $0xFFFFF086  }
0x1c: {  	p1 =	slt.u32 s9, $0xF7A;
	s5 =	simm.s32 @!p2 $0x0  }
0x1d: {  	s5 =	simm.s32 @p1 $0x1;
	p0 =	seq.s32 s7, s2  }
0x1e: {  	s7 =	smul.u32 @!p0 $0xF7A, s2;
	p2 =	seq.s32 @!p0 s5, $0x0  }
0x1f: {  	s9 =	smul.u32 $0xF7A, s1;
	s8 =	simm.s32 @!p0 $0x1BF5;
	p2 =	por !p2, p0  }
0x20: {  	[sflag:s8] =	ssyncset.s32 @!p0 $0xFFFFF086;
	s6 =	sadd.s32 @!p0 s3, s7;
	s7 =	simm.s32 @!p0 $0x108  }
0x21: {  	s3 =	sadd.s32 s3, s9;
	s6 =	sadd.s32 @!p0 $0x88, s6;
	s7 =	simm.s32 @p2 $0x1082  }
0x22: {  	[simem:s7], [sflag:s8] =	dma.local @!p0 [hbm:s6], $0xF7A  }
0x23: {  	s9 =	sor.u32 $0xD0000000, s2;
	s6 =	simm.s32 $0x108;
	_ =	swait.ge @!p0 [sflag:s8], $0x0  }
0x24: {  	s3 =	sadd.s32 $0x88, s3;
	s6 =	simm.s32 @!p1 $0x1082;
	[sflag:s4] =	ssyncset.s32 $0xFFFFF086  }
0x25: {  	[simem:s6], [sflag:s4] =	dma.local [hbm:s3], $0xF7A  }
0x26: {  	[smem:$0x3F9F] =	sst s1;
	(tag) =	ssettag s2;
	_ =	strace s9  }
0x27: {  	s1 =	sld [smem:$0x3FAF]  }
0x28: {  	s2 =	sld [smem:$0x3FB0]  }
0x29: {  	s4 =	sld [smem:$0x3FB2]  }
0x2a: {  	p0 =	seq.s32 s5, $0x0;
	s5 =	sld [smem:$0x3FB3]  }
0x2b: {  	s6 =	sld [smem:$0x3FB4]  }
0x2c: {  	s7 =	sld [smem:$0x3FB5]  }
0x2d: {  	s3 =	simm.s32 $0x108;
	s8 =	sld [smem:$0x3FB6]  }
0x2e: {  	s3 =	simm.s32 @!p0 $0x1082;
	s9 =	sld [smem:$0x3FB7]  }
0x2f: {  	lr =	sadd.s32 s0, s3;
	s0 =	sld [smem:$0x3FAE]  }
0x30: {  	s3 =	sld [smem:$0x3FB1]  }
0x31: {  	[smem:$0x3FBA] =	sst s10  }
0x32: {  	s10 =	sld [smem:$0x3FB8];
	_ =	sdelay $0x3  }
0x33: {  	p0 =	seq.s32 s10, $0x1;
	s10 =	sld [smem:$0x3FBA];
	_ =	sdelay $0x3  }
0x34: {  	[smem:$0x3FBA] =	sst s10  }
0x35: {  	s10 =	sld [smem:$0x3FB9];
	_ =	sdelay $0x3  }
0x36: {  	p1 =	seq.s32 s10, $0x1;
	s10 =	sld [smem:$0x3FBA];
	_ =	sdelay $0x3  }
0x37: {  	[smem:$0x3FBA] =	sst s10  }
0x38: {  	s10 =	sld [smem:$0x3FBB]  }
0x39: {  	_ = 	snop;
	(pc) =	sbr.ind lr, $3  }
0x3a: {  	_ = 	snop  }
0x3b: {  	_ = 	snop  }
0x3c: {  	p2 =	seq.s32 s10, $0x1;
	s10 =	sld [smem:$0x3FBA]  }
0x3d: {  	_ =	shalt  }
0x3e: {  	_ =	shalt  }
0x3f: {  	_ =	shalt  }
0x40: {  	_ =	shalt  }
0x41: {  	_ =	shalt  }
0x42: {  	_ =	shalt  }
0x43: {  	_ =	shalt  }
0x44: {  	_ =	shalt  }
0x45: {  	_ =	shalt  }
0x46: {  	_ =	shalt  }
0x47: {  	_ =	shalt  }
0x48: {  	_ =	shalt  }
0x49: {  	_ =	shalt  }
0x4a: {  	_ =	shalt  }
0x4b: {  	_ =	shalt  }
0x4c: {  	_ =	shalt  }
0x4d: {  	_ =	shalt  }
0x4e: {  	_ =	shalt  }
0x4f: {  	_ =	shalt  }
0x50: {  	_ =	shalt  }
0x51: {  	_ =	shalt  }
0x52: {  	_ =	shalt  }
0x53: {  	_ =	shalt  }
0x54: {  	_ =	shalt  }
0x55: {  	_ =	shalt  }
0x56: {  	_ =	shalt  }
0x57: {  	_ =	shalt  }
0x58: {  	_ =	shalt  }
0x59: {  	_ =	shalt  }
0x5a: {  	_ =	shalt  }
0x5b: {  	_ =	shalt  }
0x5c: {  	_ =	shalt  }
0x5d: {  	_ =	shalt  }
0x5e: {  	_ =	shalt  }
0x5f: {  	_ =	shalt  }
0x60: {  	_ =	shalt  }
0x61: {  	_ =	shalt  }
0x62: {  	_ =	shalt  }
0x63: {  	_ =	shalt  }
0x64: {  	_ =	shalt  }
0x65: {  	_ =	shalt  }
0x66: {  	_ =	shalt  }
0x67: {  	_ =	shalt  }
0x68: {  	_ =	shalt  }
0x69: {  	_ =	shalt  }
0x6a: {  	_ =	shalt  }
0x6b: {  	_ =	shalt  }
0x6c: {  	_ =	shalt  }
0x6d: {  	_ =	shalt  }
0x6e: {  	_ =	shalt  }
0x6f: {  	_ =	shalt  }
0x70: {  	_ =	shalt  }
0x71: {  	_ =	shalt  }
0x72: {  	_ =	shalt  }
0x73: {  	_ =	shalt  }
0x74: {  	_ =	shalt  }
0x75: {  	_ =	shalt  }
0x76: {  	_ =	shalt  }
0x77: {  	_ =	shalt  }
0x78: {  	_ =	shalt  }
0x79: {  	_ =	shalt  }
0x7a: {  	_ =	shalt  }
0x7b: {  	_ =	shalt  }
0x7c: {  	_ =	shalt  }
0x7d: {  	_ =	shalt  }
0x7e: {  	_ =	shalt  }
0x7f: {  	_ =	shalt  }
0x80: {  	_ =	shalt  }
0x81: {  	_ =	shalt  }
0x82: {  	_ =	shalt  }
0x83: {  	_ =	shalt  }
0x84: {  	_ =	shalt  }
0x85: {  	_ =	shalt  }
0x86: {  	_ =	shalt  }
0x87: {  	_ =	shalt  }
.Lfunc_end0:
.L_simem_size_0:
called_computation_lowered:
.L_overlay_start_0:
0x88: {  	s2 =	sld [smem:$0x3FD9]  }
0x89: {  	s3 =	sld [smem:$0x3FFE];
	_ =	sdelay $0x1  }
0x8a: {  	s1 =	srdreg.scid  }
0x8b: {  	s0 =	sand.u32 $0x1, s1  }
0x8c: {  	s17 =	sshll.u32 s0, $0xA;
	s2 =	sadd.s32 s3, s2  }
0x8d: {  	s2 =	sadd.s32 s2, s17  }
0x8e: {  	[smem:$0x3FC6] =	sst s2  }
0x8f: {  	_ = 	snop  }
0x90: {  	s2 =	sld [smem:$0x3FC8]  }
0x91: {  	s18 =	sld [smem:$0x3FD0];
	(tm) =	ssettm $0x1  }
0x92: {  	s4 =	sld [smem:$0x3FFB];
	_ =	sdelay $0x3  }
0x93: {  	_ =	strace s4  }
0x94: {  	s4 =	sld [smem:$0x3FFC];
	_ =	sdelay $0x3  }
0x95: {  	_ =	strace s4  }
0x96: {  	s4 =	sld [smem:$0x3FFD];
	_ =	sdelay $0x3  }
0x97: {  	_ =	strace s4  }
0x98: {  	_ =	strace $0x8FFFFFFF  }
0x99: {  	s19 =	sld [smem:$0x3FDB];
	_ =	sdelay $0x1  }
0x9a: {  	s5 =	simm.s32 $_scs_section_size  }
0x9b: {  	s6 =	simm.s32 $_size__tile_overlayer_lowered;
	s7 =	simm.s32 $_tile_overlayer_lowered  }
0x9c: {  	s22 =	simm.s32 $0x1BFF;
	s21 =	sshll.u32 s7, $0x1;
	s4 =	sadd.s32 s5, s19  }
0x9d: {  	s8 =	simm.s32 $0x0;
	s20 =	sshll.u32 s6, $0x1;
	s6 =	sadd.s32 s21, s4  }
0x9e: {  	[timem:s8], [sflag:s22] =	dma.local [hbm:s6], s20  }
0x9f: {  	_ =	swait.ge [sflag:s22], s20  }
0xa0: {  	s5 =	ssub.s32 $0x0, s20;
	[sflag:s22] =	ssyncset.done $0x0  }
0xa1: {  	[sflag:s22] =	ssyncadd.s32 s5;
	_ =	sdelay $0x1  }
0xa2: {  	s23 =	simm.s32 $0x1B8B  }
0xa3: {  	_ =	swait.ge [sflag:s23], $0x1  }
0xa4: {  	[sflag:s23] =	ssyncset.done $0x0  }
0xa5: {  	s25 =	simm.s32 $0x1B8E;
	s24 =	sld [smem:$0x3FFE];
	[sflag:s23] =	ssyncadd.s32 $0xFFFFFFFF  }
0xa6: {  	s26 =	simm.s32 $execute0_lowered;
	[smem:$0x3FD2] =	sst s25  }
0xa7: {  	s6 =	sshll.u32 s26, $0x1;
	_ =	strace $0x80000046;
	[dreg:$0x1] =	wrdreg $0xFFFFFFFF  }
0xa8: {  	s28 =	simm.s32 $_size_execute0_lowered;
	s4 =	sadd.s32 s4, s6;
	[dreg:$0x0] =	wrdreg $0x0  }
0xa9: {  	s6 =	sshll.u32 s28, $0x1;
	[dreg:$0x2] =	wrdreg s4  }
0xaa: {  	[dreg:$0x3] =	wrdreg s6  }
0xab: {  	[dreg:$0x4] =	wrdreg $0xC0  }
0xac: {  	_ =	task [dreg:s8], $0x5FFFF  }
0xad: {  	[dreg:$0x1] =	wrdreg $0xFFFFFFFF  }
0xae: {  	[dreg:$0x0] =	wrdreg $0x60  }
0xaf: {  	[dreg:$0x2] =	wrdreg s24  }
0xb0: {  	[dreg:$0x3] =	wrdreg s2  }
0xb1: {  	[dreg:$0x4] =	wrdreg s18  }
0xb2: {  	[dreg:$0x5] =	wrdreg $0x9  }
0xb3: {  	_ =	task.clear_ibuf [dreg:s8], $0x6FFFF;
	_ =	strace $0x90000046  }
0xb4: {  	s29 =	simm.s32 $0x9;
	_ =	strace $0x80000048  }
0xb5: {  	_ =	swait.ge [sflag:s29], $0x1  }
0xb6: {  	[sflag:s29] =	ssyncadd.s32 $0xFFFFFFFF  }
0xb7: {  	_ =	strace $0x90000048  }
0xb8: {  	_ =	sfence  }
0xb9: {  	s30 =	sld [smem:$0x0];
	_ =	sdelay $0x2  }
0xba: {  	s31 =	sshll.u32 s1, $0xD;
	s1 =	sshrl.u32 s1, $0x2  }
0xbb: {  	s3 =	sand.u32 $0x4000, s31;
	s1 =	sadd.s32 s1, s30  }
0xbc: {  	s0 =	sor.u32 s3, s0;
	s1 =	sshll.u32 s1, $0x11  }
0xbd: {  	s0 =	sor.u32 s1, s0  }
0xbe: {  	s0 =	sadd.s32 $0x8F2B, s0  }
0xbf: {  	[sflag:s0] =	ssyncadd.remote.s32 $0x1  }
0xc0: {  	_ =	sfence.sel $0xFFFF  }
0xc1: {  	[dreg:$0x0] =	wrdreg $0xFFFFFFFF;
	(pc) =	sbr.abs _section_cstart, $3  }
0xc2: {  	[dreg:$0x1] =	wrdreg $0xFFFFFFFF  }
0xc3: {  	_ =	task.clear_ibuf [dreg:s8], $0x2FFFF;
	_ =	strace $0x9FFFFFFF  }
0xc4: {  	(tm) =	ssettm $0x7FFFFFFF  }
0xc5: {  	_ =	shalt  }
tec
execute0_lowered:
.L_overlay_start_1:
0x0: {  	(tag) =	ssettag $0x1  }
0x1: {  	s0 =	srdreg.scid  }
0x2: {  	s1 =	stileid.u32;
	s2 =	rddreg [dreg:$0x0]  }
0x3: {  	s4 =	rddreg [dreg:$0x2];
	s0 =	sand.u32 $0x1, s0;
	s1 =	sshll.u32 s1, $0x1  }
0x4: {  	s30 =	simm.s32 $0x4;
	s31 =	simm.s32 $0x1000;
	s3 =	sor.u32 s0, s1  }
0x5: {  	s0 =	ssub.s32 $0x2, s0;
	s1 =	simm.s32 $0x0;
	s5 =	smul.u32 $0xC000, s3  }
0x6: {  	s2 =	sadd.s32 $0x400, s2;
	s6 =	sshrl.u32 s0, $0x1;
	[smem:$0x7FF] =	sst s1  }
0x7: {  	s3 =	smul.u32 $0x60000, s3;
	s0 =	ssub.s32 s0, s6;
	s12 =	sadd.s32 s2, s5  }
0x8: {  	s13 =	sor.u32 $0x1000, s5;
	s7 =	sor.u32 $0x2000, s5;
	s14 =	sadd.s32 s4, s5  }
0x9: {  	s5 =	sor.u32 $0x3000, s5;
	s3 =	sshrl.u32 s3, $0x3;
	s29 =	smax.u32 s0, $0x1  }
0xa: {  	s0 =	simm.s32 $0x1;
	[dreg:$0x4] =	wrdreg s12;
	s8 =	sadd.s32 s2, s13  }
0xb: {  	[dreg:$0x6] =	wrdreg s14;
	s15 =	sadd.s32 s2, s7;
	s6 =	sadd.s32 s4, s13  }
0xc: {  	s16 =	sadd.s32 s2, s5;
	s17 =	sadd.s32 s4, s7;
	[dreg:$0x5] =	wrdreg s8  }
0xd: {  	s18 =	sadd.s32 $0x4000, s3;
	s5 =	sadd.s32 s4, s5;
	[dreg:$0x7] =	wrdreg s15  }
0xe: {  	s20 =	sadd.s32 $0x5000, s3;
	s22 =	sadd.s32 $0x6000, s3;
	[dreg:$0x8] =	wrdreg s6  }
0xf: {  	s23 =	sadd.s32 $0x7000, s3;
	s24 =	sadd.s32 $0x8000, s3;
	[dreg:$0x9] =	wrdreg s16  }
0x10: {  	s25 =	sadd.s32 $0x9000, s3;
	s26 =	sadd.s32 $0xA000, s3;
	[dreg:$0xa] =	wrdreg s17  }
0x11: {  	s3 =	sadd.s32 $0xB000, s3;
	s19 =	sadd.s32 s2, s18;
	[dreg:$0xc] =	wrdreg s5  }
0x12: {  	s21 =	sadd.s32 s2, s20;
	s6 =	sadd.s32 s4, s18;
	s13 =	sadd.s32 s2, s22  }
0x13: {  	s14 =	sadd.s32 s4, s20;
	s15 =	sadd.s32 s2, s23;
	s16 =	sadd.s32 s4, s22  }
0x14: {  	s17 =	sadd.s32 s2, s24;
	s18 =	sadd.s32 s4, s23;
	s20 =	sadd.s32 s4, s24  }
0x15: {  	s22 =	sadd.s32 s4, s25;
	s24 =	sadd.s32 s2, s26;
	[dreg:$0xb] =	wrdreg s19  }
0x16: {  	s26 =	sadd.s32 s4, s26;
	s28 =	sadd.s32 s4, s3;
	[dreg:$0xd] =	wrdreg s21  }
0x17: {  	s23 =	simm.s32 $0x11000;
	s4 =	simm.s32 $0x0;
	[dreg:$0xe] =	wrdreg s6  }
0x18: {  	s19 =	sadd.s32 s2, s25;
	s25 =	sadd.s32 s2, s3;
	s21 =	simm.s32 $0x9000  }
0x19: {  	s2 =	simm.s32 $0x2;
	s3 =	simm.s32 $0x3;
	_ =	strace $0x80000047  }
.LBB2_1:
0x1a: {  	s5 =	rddreg [dreg:$0x1]  }
0x1b: {  	[tilespmem:s1], [sflag:$0x4] =	stream.linear.gather [hbm4b:s5+s1], $0x1000, $0x38;
	[tilespmem:$0x19000] =	vst v63  }
0x1c: {  	_ =	swait.ge [sflag:s30], $0x1000  }
0x1d: {  	[sflag:s30] =	ssyncset.done $0x0  }
0x1e: {  	s5 =	simm.s32 $0x40;
	[sflag:s30] =	ssyncadd.s32 $0xFFFFF000  }
0x1f: {  	v1 =	vld [tilespmem:s5+$0x30]  }
0x20: {  	v4 =	vld [tilespmem:s5+$0xFFFFFFD0]  }
0x21: {  	v6 =	vld [tilespmem:s5+$0xFFFFFFE0]  }
0x22: {  	v3 =	vld [tilespmem:s5+$0xFFFFFFF0]  }
0x23: {  	v2 =	vld [tilespmem:s5+$0x0]  }
0x24: {  	v0 =	vld [tilespmem:s5+$0x10];
	v5 =	vmax.f32 v1, $0.0e+00  }
0x25: {  	v7 =	vmax.f32 v4, $0.0e+00;
	v1 =	vld [tilespmem:s5+$0x20];
	v8 =	vmin.f32 v5, $1.000000000e+00  }
0x26: {  	s6 =	simm.s32 $0x0;
	s7 =	simm.s32 $0xC0;
	v4 =	vld [tilespmem:s5+$0xFFFFFFC0];
	v6 =	vmax.f32 v6, $0.0e+00;
	v5 =	vmin.f32 v7, $1.000000000e+00;
	[tilespmem:s5+$0x30] =	vst v8  }
.LBB2_2:
0x27: {  	v7 =	vld [tilespmem:s7+$0x30];
	s6 =	sadd.s32 $0x8, s6;
	[tilespmem:s5+$0xFFFFFFD0] =	vst v5;
	v5 =	vmin.f32 v6, $1.000000000e+00;
	v3 =	vmax.f32 v3, $0.0e+00  }
0x28: {  	v6 =	vld [tilespmem:s7+$0xFFFFFFD0];
	p0 =	slt.u32 s6, $0xF8;
	[tilespmem:s5+$0xFFFFFFE0] =	vst v5;
	v3 =	vmin.f32 v3, $1.000000000e+00;
	v2 =	vmax.f32 v2, $0.0e+00  }
0x29: {  	v8 =	vld [tilespmem:s7+$0xFFFFFFE0];
	[tilespmem:s5+$0xFFFFFFF0] =	vst v3;
	v2 =	vmin.f32 v2, $1.000000000e+00;
	v0 =	vmax.f32 v0, $0.0e+00  }
.Ltmp0:
0x2a: {  	v3 =	vld [tilespmem:s7+$0xFFFFFFF0];
	[tilespmem:s5+$0x0] =	vst v2;
	v0 =	vmin.f32 v0, $1.000000000e+00;
	v1 =	vmax.f32 v1, $0.0e+00;
	(pc) =	sbr.rel @p0 .LBB2_2-.Ltmp0, $4  }
0x2b: {  	v2 =	vld [tilespmem:s7+$0x0];
	v4 =	vmax.f32 v4, $0.0e+00;
	[tilespmem:s5+$0x10] =	vst v0;
	v1 =	vmin.f32 v1, $1.000000000e+00  }
0x2c: {  	v0 =	vld [tilespmem:s7+$0x10];
	v5 =	vmax.f32 v7, $0.0e+00;
	v4 =	vmin.f32 v4, $1.000000000e+00;
	[tilespmem:s5+$0x20] =	vst v1  }
0x2d: {  	v6 =	vmax.f32 v6, $0.0e+00;
	v1 =	vld [tilespmem:s7+$0x20];
	v7 =	vmin.f32 v5, $1.000000000e+00;
	[tilespmem:s5+$0xFFFFFFC0] =	vst v4;
	s5 =	smov.u32 s7  }
0x2e: {  	s7 =	sadd.s32 $0x80, s7;
	v4 =	vld [tilespmem:s5+$0xFFFFFFC0];
	v5 =	vmin.f32 v6, $1.000000000e+00;
	v6 =	vmax.f32 v8, $0.0e+00;
	[tilespmem:s5+$0x30] =	vst v7  }
0x2f: {  	[tilespmem:s5+$0xFFFFFFD0] =	vst v5;
	v5 =	vmin.f32 v6, $1.000000000e+00;
	v3 =	vmax.f32 v3, $0.0e+00  }
0x30: {  	[tilespmem:s5+$0xFFFFFFE0] =	vst v5;
	v3 =	vmin.f32 v3, $1.000000000e+00;
	v2 =	vmax.f32 v2, $0.0e+00  }
0x31: {  	[tilespmem:s5+$0xFFFFFFF0] =	vst v3;
	v2 =	vmin.f32 v2, $1.000000000e+00;
	v0 =	vmax.f32 v0, $0.0e+00  }
0x32: {  	[tilespmem:s5+$0x0] =	vst v2;
	v0 =	vmin.f32 v0, $1.000000000e+00;
	v1 =	vmax.f32 v1, $0.0e+00  }
0x33: {  	v2 =	vmax.f32 v4, $0.0e+00;
	[tilespmem:s5+$0x10] =	vst v0;
	v0 =	vmin.f32 v1, $1.000000000e+00  }
0x34: {  	v1 =	vmin.f32 v2, $1.000000000e+00;
	[tilespmem:s5+$0x20] =	vst v0  }
0x35: {  	[tilespmem:s5+$0xFFFFFFC0] =	vst v1  }
0x36: {  	s9 =	simm.s32 $0x0;
	s6 =	rddreg [dreg:$0x4]  }
0x37: {  	[tilespmem:s31], [sflag:$0x1] =	stream.linear.gather [hbm4b:s6+s9], $0x8000, $0x38;
	[tilespmem:$0x19000] =	vst v63  }
0x38: {  	s10 =	rddreg [dreg:$0x5]  }
0x39: {  	[tilespmem:s21], [sflag:$0x2] =	stream.linear.gather [hbm4b:s10+s9], $0x8000, $0x38;
	[tilespmem:$0x19000] =	vst v63  }
0x3a: {  	_ =	swait.ge [sflag:s0], $0x8000  }
0x3b: {  	s11 =	sand.u32 $0x7C00, s9;
	s5 =	sand.u32 $0x380, s9;
	[sflag:s0] =	ssyncset.done $0x0  }
0x3c: {  	s5 =	sor.u32 s5, s11;
	[sflag:s0] =	ssyncadd.s32 $0xFFFF8000  }
0x3d: {  	v0 =	vld [tilespmem:s5+$0x1070]  }
0x3e: {  	v3 =	vld [tilespmem:s5+$0x1020]  }
0x3f: {  	v1 =	vld [tilespmem:s5+$0x1000]  }
0x40: {  	v2 =	vld [tilespmem:s5+$0x1010]  }
0x41: {  	v4 =	vld [tilespmem:s5+$0x1030]  }
0x42: {  	s12 =	simm.s32 $0x400;
	s7 =	simm.s32 $0x4;
	v5 =	vld [tilespmem:s5+$0x1040]  }
0x43: {  	s7 =	sand.u32 $0x380, s7;
	s6 =	sand.u32 $0x7C00, s12;
	v6 =	vld [tilespmem:s5+$0x1050];
	vm15 =	vgt.s32 v3, $0x0  }
0x44: {  	s6 =	sor.u32 s7, s6;
	v7 =	vld [tilespmem:s5+$0x1060];
	v3 =	vnsel vm15, $0x0, v3  }
0x45: {  	v8 =	vld [tilespmem:s6+$0x1000];
	v3 =	vmin.u32 v3, $0xFFF  }
0x46: {  	v9 =	vld [tilespmem:s6+$0x1010]  }
0x47: {  	v11 =	vld [tilespmem:s6+$0x1020];
	vm0 =	vgt.s32 v0, $0x0  }
0x48: {  	v12 =	vld [tilespmem:s6+$0x1030];
	vm1 =	vgt.s32 v1, $0x0;
	v0 =	vnsel vm0, $0x0, v0  }
0x49: {  	v14 =	vld [tilespmem:s6+$0x1040];
	vm14 =	vgt.s32 v2, $0x0;
	v1 =	vnsel vm1, $0x0, v1;
	v0 =	vmin.u32 v0, $0xFFF  }
0x4a: {  	vm6 =	vgt.s32 v6, $0x0;
	v2 =	vnsel vm14, $0x0, v2;
	v1 =	vmin.u32 v1, $0xFFF;
	v10 =	vld.idx.msk [tilespmem:v3+s1+$0x0], $0xffff  }
0x4b: {  	vm7 =	vgt.s32 v7, $0x0;
	v6 =	vnsel vm6, $0x0, v6;
	v2 =	vmin.u32 v2, $0xFFF;
	v3 =	vld [tilespmem:s6+$0x1070]  }
0x4c: {  	v16 =	vld [tilespmem:s6+$0x1050];
	vm4 =	vgt.s32 v4, $0x0;
	v13 =	vmin.u32 v6, $0xFFF;
	v6 =	vnsel vm7, $0x0, v7  }
0x4d: {  	v17 =	vld [tilespmem:s6+$0x1060];
	vm5 =	vgt.s32 v5, $0x0;
	v4 =	vnsel vm4, $0x0, v4;
	v15 =	vmin.u32 v6, $0xFFF  }
0x4e: {  	v5 =	vnsel vm5, $0x0, v5;
	v4 =	vmin.u32 v4, $0xFFF;
	v0 =	vld.idx.msk [tilespmem:v0+s1+$0x0], $0xffff  }
0x4f: {  	vm9 =	vgt.s32 v8, $0x0;
	v5 =	vmin.u32 v5, $0xFFF;
	v1 =	vld.idx.msk [tilespmem:v1+s1+$0x0], $0xffff  }
0x50: {  	v6 =	vnsel vm9, $0x0, v8;
	v2 =	vld.idx.msk [tilespmem:v2+s1+$0x0], $0xffff;
	vm8 =	vgt.s32 v3, $0x0  }
0x51: {  	vm10 =	vgt.s32 v9, $0x0;
	v19 =	vmin.u32 v6, $0xFFF;
	v3 =	vnsel vm8, $0x0, v3  }
0x52: {  	vm11 =	vgt.s32 v11, $0x0;
	v6 =	vnsel vm10, $0x0, v9;
	v8 =	vld.idx.msk [tilespmem:v15+s1+$0x0], $0xffff;
	v18 =	vmin.u32 v3, $0xFFF  }
0x53: {  	v7 =	vnsel vm11, $0x0, v11;
	v6 =	vmin.u32 v6, $0xFFF;
	[tilespmem:s5+$0x1070] =	vst v0;
	v3 =	vld.idx.msk [tilespmem:v4+s1+$0x0], $0xffff  }
0x54: {  	vm12 =	vgt.s32 v12, $0x0;
	vm15 =	vgt.s32 v17, $0x0;
	v7 =	vmin.u32 v7, $0xFFF;
	[tilespmem:s5+$0x1000] =	vst v1;
	v4 =	vld.idx.msk [tilespmem:v5+s1+$0x0], $0xffff  }
0x55: {  	vm13 =	vgt.s32 v14, $0x0;
	vm14 =	vgt.s32 v16, $0x0;
	v11 =	vnsel vm15, $0x0, v17;
	[tilespmem:s5+$0x1010] =	vst v2;
	v5 =	vld.idx.msk [tilespmem:v13+s1+$0x0], $0xffff  }
0x56: {  	v0 =	vnsel vm12, $0x0, v12;
	v1 =	vnsel vm13, $0x0, v14;
	v2 =	vnsel vm14, $0x0, v16;
	[tilespmem:s5+$0x1020] =	vst v10;
	v10 =	vld.idx.msk [tilespmem:v19+s1+$0x0], $0xffff  }
0x57: {  	s8 =	simm.s32 $0x800;
	s7 =	simm.s32 $0x8;
	s9 =	simm.s32 $0x8;
	v0 =	vmin.u32 v0, $0xFFF;
	v1 =	vmin.u32 v1, $0xFFF;
	v2 =	vmin.u32 v2, $0xFFF;
	v9 =	vld.idx.msk [tilespmem:v18+s1+$0x0], $0xffff  }
.LBB2_4:
0x58: {  	s10 =	sand.u32 $0x7C00, s8;
	s11 =	sand.u32 $0x380, s9;
	s7 =	sadd.s32 $0x8, s7;
	v6 =	vld.idx.msk [tilespmem:v6+s1+$0x0], $0xffff;
	v11 =	vmin.u32 v11, $0xFFF;
	[tilespmem:s5+$0x1030] =	vst v3  }
0x59: {  	s10 =	sor.u32 s11, s10;
	p0 =	slt.u32 s7, $0x7F8;
	v3 =	vld.idx.msk [tilespmem:v7+s1+$0x0], $0xffff;
	[tilespmem:s5+$0x1040] =	vst v4  }
0x5a: {  	v4 =	vld [tilespmem:s10+$0x1070];
	[tilespmem:s5+$0x1050] =	vst v5  }
0x5b: {  	v5 =	vld [tilespmem:s10+$0x1000];
	[tilespmem:s5+$0x1060] =	vst v8;
	s5 =	smov.u32 s6;
	s6 =	smov.u32 s10  }
0x5c: {  	v7 =	vld [tilespmem:s6+$0x1010];
	[tilespmem:s5+$0x1070] =	vst v9  }
0x5d: {  	v8 =	vld [tilespmem:s6+$0x1020];
	[tilespmem:s5+$0x1000] =	vst v10  }
0x5e: {  	v9 =	vld [tilespmem:s6+$0x1030];
	[tilespmem:s5+$0x1010] =	vst v6  }
0x5f: {  	v10 =	vld [tilespmem:s6+$0x1040];
	vm0 =	vgt.s32 v4, $0x0;
	[tilespmem:s5+$0x1020] =	vst v3  }
0x60: {  	vm1 =	vgt.s32 v5, $0x0;
	v12 =	vld [tilespmem:s6+$0x1050];
	v3 =	vnsel vm0, $0x0, v4  }
0x61: {  	v4 =	vnsel vm1, $0x0, v5;
	vm0 =	vgt.s32 v7, $0x0;
	v13 =	vld [tilespmem:s6+$0x1060];
	v14 =	vmin.u32 v3, $0xFFF  }
0x62: {  	v15 =	vmin.u32 v4, $0xFFF;
	v4 =	vnsel vm0, $0x0, v7;
	vm0 =	vgt.s32 v8, $0x0;
	v3 =	vld.idx.msk [tilespmem:v0+s1+$0x0], $0xffff  }
.Ltmp1:
0x63: {  	v6 =	vmin.u32 v4, $0xFFF;
	v0 =	vnsel vm0, $0x0, v8;
	vm0 =	vgt.s32 v9, $0x0;
	v4 =	vld.idx.msk [tilespmem:v1+s1+$0x0], $0xffff;
	(pc) =	sbr.rel @p0 .LBB2_4-.Ltmp1, $4  }
0x64: {  	v7 =	vmin.u32 v0, $0xFFF;
	v0 =	vnsel vm0, $0x0, v9;
	vm0 =	vgt.s32 v10, $0x0;
	v5 =	vld.idx.msk [tilespmem:v2+s1+$0x0], $0xffff  }
0x65: {  	v0 =	vmin.u32 v0, $0xFFF;
	v1 =	vnsel vm0, $0x0, v10;
	vm0 =	vgt.s32 v12, $0x0;
	v8 =	vld.idx.msk [tilespmem:v11+s1+$0x0], $0xffff  }
0x66: {  	v1 =	vmin.u32 v1, $0xFFF;
	v2 =	vnsel vm0, $0x0, v12;
	vm0 =	vgt.s32 v13, $0x0;
	v9 =	vld.idx.msk [tilespmem:v14+s1+$0x0], $0xffff  }
0x67: {  	s8 =	sadd.s32 $0x400, s8;
	s9 =	sadd.s32 $0x4, s9;
	v10 =	vld.idx.msk [tilespmem:v15+s1+$0x0], $0xffff;
	v2 =	vmin.u32 v2, $0xFFF;
	v11 =	vnsel vm0, $0x0, v13  }
0x68: {  	_ =	sdelay $0x2  }
0x69: {  	[tilespmem:s5+$0x1030] =	vst v3  }
0x6a: {  	v3 =	vld.idx.msk [tilespmem:v6+s1+$0x0], $0xffff;
	v6 =	vmin.u32 v11, $0xFFF;
	[tilespmem:s5+$0x1040] =	vst v4  }
0x6b: {  	v4 =	vld.idx.msk [tilespmem:v7+s1+$0x0], $0xffff;
	[tilespmem:s5+$0x1050] =	vst v5  }
0x6c: {  	v0 =	vld.idx.msk [tilespmem:v0+s1+$0x0], $0xffff;
	[tilespmem:s5+$0x1060] =	vst v8  }
0x6d: {  	v1 =	vld.idx.msk [tilespmem:v1+s1+$0x0], $0xffff;
	[tilespmem:s6+$0x1070] =	vst v9  }
0x6e: {  	v2 =	vld.idx.msk [tilespmem:v2+s1+$0x0], $0xffff;
	[tilespmem:s6+$0x1000] =	vst v10  }
0x6f: {  	[tilespmem:s6+$0x1010] =	vst v3;
	v3 =	vld.idx.msk [tilespmem:v6+s1+$0x0], $0xffff  }
0x70: {  	[tilespmem:s6+$0x1020] =	vst v4  }
0x71: {  	[tilespmem:s6+$0x1030] =	vst v0  }
0x72: {  	[tilespmem:s6+$0x1040] =	vst v1  }
0x73: {  	[tilespmem:s6+$0x1050] =	vst v2  }
0x74: {  	[tilespmem:s6+$0x1060] =	vst v3  }
0x75: {  	s9 =	simm.s32 $0x0;
	s6 =	rddreg [dreg:$0x6]  }
0x76: {  	[hbm4b:s6+s9] =	stream.linear.scatter [tilespmem:s31], [sflag:$0x1], $0x8000, $0x38;
	[tilespmem:$0x19000] =	vst v63  }
0x77: {  	s10 =	rddreg [dreg:$0x7]  }
0x78: {  	[tilespmem:s23], [sflag:$0x3] =	stream.linear.gather [hbm4b:s10+s9], $0x8000, $0x38;
	[tilespmem:$0x19000] =	vst v63  }
0x79: {  	_ =	swait.ge [sflag:s2], $0x8000  }
0x7a: {  	s11 =	sand.u32 $0x7C00, s9;
	s5 =	sand.u32 $0x380, s9;
	[sflag:s2] =	ssyncset.done $0x0  }
0x7b: {  	s5 =	sor.u32 s5, s11;
	[sflag:s2] =	ssyncadd.s32 $0xFFFF8000  }
0x7c: {  	v0 =	vld [tilespmem:s5+$0x9070]  }
0x7d: {  	v3 =	vld [tilespmem:s5+$0x9020]  }
0x7e: {  	v1 =	vld [tilespmem:s5+$0x9000]  }
0x7f: {  	v2 =	vld [tilespmem:s5+$0x9010]  }
0x80: {  	v4 =	vld [tilespmem:s5+$0x9030]  }
0x81: {  	s12 =	simm.s32 $0x400;
	s7 =	simm.s32 $0x4;
	v5 =	vld [tilespmem:s5+$0x9040]  }
0x82: {  	s7 =	sand.u32 $0x380, s7;
	s6 =	sand.u32 $0x7C00, s12;
	v6 =	vld [tilespmem:s5+$0x9050];
	vm15 =	vgt.s32 v3, $0x0  }
0x83: {  	s6 =	sor.u32 s7, s6;
	v7 =	vld [tilespmem:s5+$0x9060];
	v3 =	vnsel vm15, $0x0, v3  }
0x84: {  	v8 =	vld [tilespmem:s6+$0x9000];
	v3 =	vmin.u32 v3, $0xFFF  }
0x85: {  	v9 =	vld [tilespmem:s6+$0x9010]  }
0x86: {  	v11 =	vld [tilespmem:s6+$0x9020];
	vm0 =	vgt.s32 v0, $0x0  }
0x87: {  	v12 =	vld [tilespmem:s6+$0x9030];
	vm1 =	vgt.s32 v1, $0x0;
	v0 =	vnsel vm0, $0x0, v0  }
0x88: {  	v14 =	vld [tilespmem:s6+$0x9040];
	vm14 =	vgt.s32 v2, $0x0;
	v1 =	vnsel vm1, $0x0, v1;
	v0 =	vmin.u32 v0, $0xFFF  }
0x89: {  	vm6 =	vgt.s32 v6, $0x0;
	v2 =	vnsel vm14, $0x0, v2;
	v1 =	vmin.u32 v1, $0xFFF;
	v10 =	vld.idx.msk [tilespmem:v3+s1+$0x0], $0xffff  }
0x8a: {  	vm7 =	vgt.s32 v7, $0x0;
	v6 =	vnsel vm6, $0x0, v6;
	v2 =	vmin.u32 v2, $0xFFF;
	v3 =	vld [tilespmem:s6+$0x9070]  }
0x8b: {  	v16 =	vld [tilespmem:s6+$0x9050];
	vm4 =	vgt.s32 v4, $0x0;
	v13 =	vmin.u32 v6, $0xFFF;
	v6 =	vnsel vm7, $0x0, v7  }
0x8c: {  	v17 =	vld [tilespmem:s6+$0x9060];
	vm5 =	vgt.s32 v5, $0x0;
	v4 =	vnsel vm4, $0x0, v4;
	v15 =	vmin.u32 v6, $0xFFF  }
0x8d: {  	v5 =	vnsel vm5, $0x0, v5;
	v4 =	vmin.u32 v4, $0xFFF;
	v0 =	vld.idx.msk [tilespmem:v0+s1+$0x0], $0xffff  }
0x8e: {  	vm9 =	vgt.s32 v8, $0x0;
	v5 =	vmin.u32 v5, $0xFFF;
	v1 =	vld.idx.msk [tilespmem:v1+s1+$0x0], $0xffff  }
0x8f: {  	v6 =	vnsel vm9, $0x0, v8;
	v2 =	vld.idx.msk [tilespmem:v2+s1+$0x0], $0xffff;
	vm8 =	vgt.s32 v3, $0x0  }
0x90: {  	vm10 =	vgt.s32 v9, $0x0;
	v19 =	vmin.u32 v6, $0xFFF;
	v3 =	vnsel vm8, $0x0, v3  }
0x91: {  	vm11 =	vgt.s32 v11, $0x0;
	v6 =	vnsel vm10, $0x0, v9;
	v8 =	vld.idx.msk [tilespmem:v15+s1+$0x0], $0xffff;
	v18 =	vmin.u32 v3, $0xFFF  }
0x92: {  	v7 =	vnsel vm11, $0x0, v11;
	v6 =	vmin.u32 v6, $0xFFF;
	[tilespmem:s5+$0x9070] =	vst v0;
	v3 =	vld.idx.msk [tilespmem:v4+s1+$0x0], $0xffff  }
0x93: {  	vm12 =	vgt.s32 v12, $0x0;
	vm15 =	vgt.s32 v17, $0x0;
	v7 =	vmin.u32 v7, $0xFFF;
	[tilespmem:s5+$0x9000] =	vst v1;
	v4 =	vld.idx.msk [tilespmem:v5+s1+$0x0], $0xffff  }
0x94: {  	vm13 =	vgt.s32 v14, $0x0;
	vm14 =	vgt.s32 v16, $0x0;
	v11 =	vnsel vm15, $0x0, v17;
	[tilespmem:s5+$0x9010] =	vst v2;
	v5 =	vld.idx.msk [tilespmem:v13+s1+$0x0], $0xffff  }
0x95: {  	v0 =	vnsel vm12, $0x0, v12;
	v1 =	vnsel vm13, $0x0, v14;
	v2 =	vnsel vm14, $0x0, v16;
	[tilespmem:s5+$0x9020] =	vst v10;
	v10 =	vld.idx.msk [tilespmem:v19+s1+$0x0], $0xffff  }
0x96: {  	s8 =	simm.s32 $0x800;
	s7 =	simm.s32 $0x8;
	s9 =	simm.s32 $0x8;
	v0 =	vmin.u32 v0, $0xFFF;
	v1 =	vmin.u32 v1, $0xFFF;
	v2 =	vmin.u32 v2, $0xFFF;
	v9 =	vld.idx.msk [tilespmem:v18+s1+$0x0], $0xffff  }
.LBB2_6:
0x97: {  	s10 =	sand.u32 $0x7C00, s8;
	s11 =	sand.u32 $0x380, s9;
	s7 =	sadd.s32 $0x8, s7;
	v6 =	vld.idx.msk [tilespmem:v6+s1+$0x0], $0xffff;
	v11 =	vmin.u32 v11, $0xFFF;
	[tilespmem:s5+$0x9030] =	vst v3  }
0x98: {  	s10 =	sor.u32 s11, s10;
	p0 =	slt.u32 s7, $0x7F8;
	v3 =	vld.idx.msk [tilespmem:v7+s1+$0x0], $0xffff;
	[tilespmem:s5+$0x9040] =	vst v4  }
0x99: {  	v4 =	vld [tilespmem:s10+$0x9070];
	[tilespmem:s5+$0x9050] =	vst v5  }
0x9a: {  	v5 =	vld [tilespmem:s10+$0x9000];
	[tilespmem:s5+$0x9060] =	vst v8;
	s5 =	smov.u32 s6;
	s6 =	smov.u32 s10  }
0x9b: {  	v7 =	vld [tilespmem:s6+$0x9010];
	[tilespmem:s5+$0x9070] =	vst v9  }
0x9c: {  	v8 =	vld [tilespmem:s6+$0x9020];
	[tilespmem:s5+$0x9000] =	vst v10  }
0x9d: {  	v9 =	vld [tilespmem:s6+$0x9030];
	[tilespmem:s5+$0x9010] =	vst v6  }
0x9e: {  	v10 =	vld [tilespmem:s6+$0x9040];
	vm0 =	vgt.s32 v4, $0x0;
	[tilespmem:s5+$0x9020] =	vst v3  }
0x9f: {  	vm1 =	vgt.s32 v5, $0x0;
	v12 =	vld [tilespmem:s6+$0x9050];
	v3 =	vnsel vm0, $0x0, v4  }
0xa0: {  	v4 =	vnsel vm1, $0x0, v5;
	vm0 =	vgt.s32 v7, $0x0;
	v13 =	vld [tilespmem:s6+$0x9060];
	v14 =	vmin.u32 v3, $0xFFF  }
0xa1: {  	v15 =	vmin.u32 v4, $0xFFF;
	v4 =	vnsel vm0, $0x0, v7;
	vm0 =	vgt.s32 v8, $0x0;
	v3 =	vld.idx.msk [tilespmem:v0+s1+$0x0], $0xffff  }
.Ltmp2:
0xa2: {  	v6 =	vmin.u32 v4, $0xFFF;
	v0 =	vnsel vm0, $0x0, v8;
	vm0 =	vgt.s32 v9, $0x0;
	v4 =	vld.idx.msk [tilespmem:v1+s1+$0x0], $0xffff;
	(pc) =	sbr.rel @p0 .LBB2_6-.Ltmp2, $4  }
0xa3: {  	v7 =	vmin.u32 v0, $0xFFF;
	v0 =	vnsel vm0, $0x0, v9;
	vm0 =	vgt.s32 v10, $0x0;
	v5 =	vld.idx.msk [tilespmem:v2+s1+$0x0], $0xffff  }
0xa4: {  	v0 =	vmin.u32 v0, $0xFFF;
	v1 =	vnsel vm0, $0x0, v10;
	vm0 =	vgt.s32 v12, $0x0;
	v8 =	vld.idx.msk [tilespmem:v11+s1+$0x0], $0xffff  }
0xa5: {  	v1 =	vmin.u32 v1, $0xFFF;
	v2 =	vnsel vm0, $0x0, v12;
	vm0 =	vgt.s32 v13, $0x0;
	v9 =	vld.idx.msk [tilespmem:v14+s1+$0x0], $0xffff  }
0xa6: {  	s8 =	sadd.s32 $0x400, s8;
	s9 =	sadd.s32 $0x4, s9;
	v10 =	vld.idx.msk [tilespmem:v15+s1+$0x0], $0xffff;
	v2 =	vmin.u32 v2, $0xFFF;
	v11 =	vnsel vm0, $0x0, v13  }
0xa7: {  	_ =	sdelay $0x2  }
0xa8: {  	[tilespmem:s5+$0x9030] =	vst v3  }
0xa9: {  	v3 =	vld.idx.msk [tilespmem:v6+s1+$0x0], $0xffff;
	v6 =	vmin.u32 v11, $0xFFF;
	[tilespmem:s5+$0x9040] =	vst v4  }
0xaa: {  	v4 =	vld.idx.msk [tilespmem:v7+s1+$0x0], $0xffff;
	[tilespmem:s5+$0x9050] =	vst v5  }
0xab: {  	v0 =	vld.idx.msk [tilespmem:v0+s1+$0x0], $0xffff;
	[tilespmem:s5+$0x9060] =	vst v8  }
0xac: {  	v1 =	vld.idx.msk [tilespmem:v1+s1+$0x0], $0xffff;
	[tilespmem:s6+$0x9070] =	vst v9  }
0xad: {  	v2 =	vld.idx.msk [tilespmem:v2+s1+$0x0], $0xffff;
	[tilespmem:s6+$0x9000] =	vst v10  }
0xae: {  	[tilespmem:s6+$0x9010] =	vst v3;
	v3 =	vld.idx.msk [tilespmem:v6+s1+$0x0], $0xffff  }
0xaf: {  	[tilespmem:s6+$0x9020] =	vst v4  }
0xb0: {  	[tilespmem:s6+$0x9030] =	vst v0  }
0xb1: {  	[tilespmem:s6+$0x9040] =	vst v1  }
0xb2: {  	[tilespmem:s6+$0x9050] =	vst v2  }
0xb3: {  	[tilespmem:s6+$0x9060] =	vst v3  }
0xb4: {  	s9 =	simm.s32 $0x0;
	s6 =	rddreg [dreg:$0x8]  }
0xb5: {  	[hbm4b:s6+s9] =	stream.linear.scatter [tilespmem:s21], [sflag:$0x2], $0x8000, $0x38;
	[tilespmem:$0x19000] =	vst v63  }
0xb6: {  	_ =	swait.ge [sflag:s0], $0x8000  }
0xb7: {  	[sflag:s0] =	ssyncset.done $0x0  }
0xb8: {  	s10 =	rddreg [dreg:$0x9];
	[sflag:s0] =	ssyncadd.s32 $0xFFFF8000  }
0xb9: {  	[tilespmem:s31], [sflag:$0x1] =	stream.linear.gather [hbm4b:s10+s9], $0x8000, $0x38;
	[tilespmem:$0x19000] =	vst v63  }
0xba: {  	s11 =	sand.u32 $0x7C00, s9;
	s5 =	sand.u32 $0x380, s9;
	_ =	swait.ge [sflag:s3], $0x8000  }
0xbb: {  	s8 =	sor.u32 s5, s11;
	[sflag:s3] =	ssyncset.done $0x0  }
0xbc: {  	s5 =	sadd.s32 $0x11000, s8;
	[sflag:s3] =	ssyncadd.s32 $0xFFFF8000  }
0xbd: {  	v3 =	vld [tilespmem:s5+$0x20];
	_ =	sdelay $0x1  }
0xbe: {  	v0 =	vld [tilespmem:s8+$0x11000]  }
0xbf: {  	v1 =	vld [tilespmem:s5+$0x70]  }
0xc0: {  	v2 =	vld [tilespmem:s5+$0x10]  }
0xc1: {  	s12 =	simm.s32 $0x400;
	s7 =	simm.s32 $0x4;
	v4 =	vld [tilespmem:s5+$0x30];
	vm15 =	vgt.s32 v3, $0x0  }
0xc2: {  	s7 =	sand.u32 $0x380, s7;
	s6 =	sand.u32 $0x7C00, s12;
	v5 =	vld [tilespmem:s5+$0x40];
	v3 =	vnsel vm15, $0x0, v3  }
0xc3: {  	s7 =	sor.u32 s7, s6;
	v6 =	vld [tilespmem:s5+$0x50];
	v3 =	vmin.u32 v3, $0xFFF  }
0xc4: {  	s6 =	sadd.s32 $0x11000, s7;
	v7 =	vld [tilespmem:s5+$0x60]  }
0xc5: {  	v8 =	vld [tilespmem:s6+$0x70]  }
0xc6: {  	v9 =	vld [tilespmem:s6+$0x10]  }
0xc7: {  	v11 =	vld [tilespmem:s6+$0x20];
	vm0 =	vgt.s32 v0, $0x0;
	vm14 =	vgt.s32 v1, $0x0;
	vm1 =	vgt.s32 v2, $0x0  }
0xc8: {  	vm4 =	vgt.s32 v4, $0x0;
	vm6 =	vgt.s32 v6, $0x0;
	v0 =	vnsel vm0, $0x0, v0;
	v10 =	vld.idx.msk [tilespmem:v3+s1+$0x0], $0xffff  }
0xc9: {  	vm7 =	vgt.s32 v7, $0x0;
	v1 =	vnsel vm14, $0x0, v1;
	v0 =	vmin.u32 v0, $0xFFF;
	v3 =	vld [tilespmem:s7+$0x11000]  }
0xca: {  	v12 =	vld [tilespmem:s6+$0x30];
	v2 =	vnsel vm1, $0x0, v2;
	v6 =	vnsel vm6, $0x0, v6;
	v1 =	vmin.u32 v1, $0xFFF  }
0xcb: {  	v15 =	vld [tilespmem:s6+$0x50];
	v2 =	vmin.u32 v2, $0xFFF;
	v13 =	vmin.u32 v6, $0xFFF;
	v6 =	vnsel vm7, $0x0, v7  }
0xcc: {  	v17 =	vld [tilespmem:s6+$0x60];
	vm5 =	vgt.s32 v5, $0x0;
	v4 =	vnsel vm4, $0x0, v4;
	v14 =	vmin.u32 v6, $0xFFF  }
0xcd: {  	v5 =	vnsel vm5, $0x0, v5;
	v4 =	vmin.u32 v4, $0xFFF;
	v7 =	vld [tilespmem:s6+$0x40]  }
0xce: {  	v5 =	vmin.u32 v5, $0xFFF;
	v0 =	vld.idx.msk [tilespmem:v0+s1+$0x0], $0xffff;
	vm8 =	vgt.s32 v3, $0x0  }
0xcf: {  	vm9 =	vgt.s32 v8, $0x0;
	v1 =	vld.idx.msk [tilespmem:v1+s1+$0x0], $0xffff;
	v3 =	vnsel vm8, $0x0, v3  }
0xd0: {  	vm10 =	vgt.s32 v9, $0x0;
	v2 =	vld.idx.msk [tilespmem:v2+s1+$0x0], $0xffff;
	v16 =	vmin.u32 v3, $0xFFF;
	v3 =	vnsel vm9, $0x0, v8  }
0xd1: {  	vm11 =	vgt.s32 v11, $0x0;
	v6 =	vnsel vm10, $0x0, v9;
	v9 =	vld.idx.msk [tilespmem:v14+s1+$0x0], $0xffff;
	v18 =	vmin.u32 v3, $0xFFF  }
0xd2: {  	v6 =	vmin.u32 v6, $0xFFF;
	v8 =	vnsel vm11, $0x0, v11;
	v3 =	vld.idx.msk [tilespmem:v4+s1+$0x0], $0xffff  }
0xd3: {  	vm12 =	vgt.s32 v12, $0x0;
	vm14 =	vgt.s32 v15, $0x0;
	[tilespmem:s8+$0x11000] =	vst v0;
	v4 =	vld.idx.msk [tilespmem:v5+s1+$0x0], $0xffff;
	v8 =	vmin.u32 v8, $0xFFF  }
0xd4: {  	vm15 =	vgt.s32 v17, $0x0;
	vm13 =	vgt.s32 v7, $0x0;
	v0 =	vnsel vm12, $0x0, v12;
	[tilespmem:s5+$0x70] =	vst v1;
	v5 =	vld.idx.msk [tilespmem:v13+s1+$0x0], $0xffff  }
0xd5: {  	v1 =	vnsel vm13, $0x0, v7;
	[tilespmem:s5+$0x10] =	vst v2;
	v0 =	vmin.u32 v0, $0xFFF;
	v11 =	vnsel vm14, $0x0, v15;
	v7 =	vld.idx.msk [tilespmem:v16+s1+$0x0], $0xffff  }
0xd6: {  	s9 =	simm.s32 $0x800;
	s10 =	simm.s32 $0x8;
	[tilespmem:s5+$0x20] =	vst v10;
	s8 =	simm.s32 $0x8;
	v2 =	vmin.u32 v1, $0xFFF;
	v1 =	vmin.u32 v11, $0xFFF;
	v11 =	vnsel vm15, $0x0, v17;
	v10 =	vld.idx.msk [tilespmem:v18+s1+$0x0], $0xffff  }
.LBB2_8:
0xd7: {  	s11 =	sand.u32 $0x7C00, s9;
	s12 =	sand.u32 $0x380, s10;
	s8 =	sadd.s32 $0x8, s8;
	v6 =	vld.idx.msk [tilespmem:v6+s1+$0x0], $0xffff;
	v11 =	vmin.u32 v11, $0xFFF;
	[tilespmem:s5+$0x30] =	vst v3  }
0xd8: {  	s11 =	sor.u32 s12, s11;
	p0 =	slt.u32 s8, $0x7F8;
	v3 =	vld.idx.msk [tilespmem:v8+s1+$0x0], $0xffff;
	[tilespmem:s5+$0x40] =	vst v4  }
0xd9: {  	s12 =	sadd.s32 $0x11000, s11;
	v4 =	vld [tilespmem:s11+$0x11000];
	[tilespmem:s5+$0x50] =	vst v5  }
0xda: {  	v5 =	vld [tilespmem:s12+$0x70];
	[tilespmem:s5+$0x60] =	vst v9;
	s5 =	smov.u32 s6;
	s6 =	smov.u32 s12  }
0xdb: {  	v8 =	vld [tilespmem:s6+$0x10];
	[tilespmem:s7+$0x11000] =	vst v7;
	s7 =	smov.u32 s11  }
0xdc: {  	v7 =	vld [tilespmem:s6+$0x20];
	[tilespmem:s5+$0x70] =	vst v10  }
0xdd: {  	v9 =	vld [tilespmem:s6+$0x30];
	[tilespmem:s5+$0x10] =	vst v6  }
0xde: {  	vm0 =	vgt.s32 v4, $0x0;
	v10 =	vld [tilespmem:s6+$0x40];
	[tilespmem:s5+$0x20] =	vst v3  }
0xdf: {  	v3 =	vnsel vm0, $0x0, v4;
	v12 =	vld [tilespmem:s6+$0x50];
	vm0 =	vgt.s32 v5, $0x0  }
0xe0: {  	v13 =	vmin.u32 v3, $0xFFF;
	vm1 =	vgt.s32 v8, $0x0;
	v14 =	vld [tilespmem:s6+$0x60];
	v3 =	vnsel vm0, $0x0, v5  }
0xe1: {  	v4 =	vnsel vm1, $0x0, v8;
	vm0 =	vgt.s32 v7, $0x0;
	v15 =	vmin.u32 v3, $0xFFF;
	v3 =	vld.idx.msk [tilespmem:v0+s1+$0x0], $0xffff  }
.Ltmp3:
0xe2: {  	v6 =	vmin.u32 v4, $0xFFF;
	v0 =	vnsel vm0, $0x0, v7;
	vm0 =	vgt.s32 v9, $0x0;
	v4 =	vld.idx.msk [tilespmem:v2+s1+$0x0], $0xffff;
	(pc) =	sbr.rel @p0 .LBB2_8-.Ltmp3, $4  }
0xe3: {  	v8 =	vmin.u32 v0, $0xFFF;
	v0 =	vnsel vm0, $0x0, v9;
	vm0 =	vgt.s32 v10, $0x0;
	v5 =	vld.idx.msk [tilespmem:v1+s1+$0x0], $0xffff  }
0xe4: {  	v0 =	vmin.u32 v0, $0xFFF;
	v1 =	vnsel vm0, $0x0, v10;
	vm0 =	vgt.s32 v12, $0x0;
	v9 =	vld.idx.msk [tilespmem:v11+s1+$0x0], $0xffff  }
0xe5: {  	v7 =	vld.idx.msk [tilespmem:v13+s1+$0x0], $0xffff;
	v2 =	vmin.u32 v1, $0xFFF;
	v1 =	vnsel vm0, $0x0, v12;
	vm0 =	vgt.s32 v14, $0x0  }
0xe6: {  	s9 =	sadd.s32 $0x400, s9;
	s10 =	sadd.s32 $0x4, s10;
	v1 =	vmin.u32 v1, $0xFFF;
	v11 =	vnsel vm0, $0x0, v14;
	v10 =	vld.idx.msk [tilespmem:v15+s1+$0x0], $0xffff  }
0xe7: {  	_ =	sdelay $0x2  }
0xe8: {  	[tilespmem:s5+$0x30] =	vst v3  }
0xe9: {  	v3 =	vld.idx.msk [tilespmem:v6+s1+$0x0], $0xffff;
	v6 =	vmin.u32 v11, $0xFFF;
	[tilespmem:s5+$0x40] =	vst v4  }
0xea: {  	v4 =	vld.idx.msk [tilespmem:v8+s1+$0x0], $0xffff;
	[tilespmem:s5+$0x50] =	vst v5  }
0xeb: {  	v0 =	vld.idx.msk [tilespmem:v0+s1+$0x0], $0xffff;
	[tilespmem:s5+$0x60] =	vst v9  }
0xec: {  	v2 =	vld.idx.msk [tilespmem:v2+s1+$0x0], $0xffff;
	[tilespmem:s7+$0x11000] =	vst v7  }
0xed: {  	v1 =	vld.idx.msk [tilespmem:v1+s1+$0x0], $0xffff;
	[tilespmem:s6+$0x70] =	vst v10  }
0xee: {  	[tilespmem:s6+$0x10] =	vst v3;
	v3 =	vld.idx.msk [tilespmem:v6+s1+$0x0], $0xffff  }
0xef: {  	[tilespmem:s6+$0x20] =	vst v4  }
0xf0: {  	[tilespmem:s6+$0x30] =	vst v0  }
0xf1: {  	[tilespmem:s6+$0x40] =	vst v2  }
0xf2: {  	[tilespmem:s6+$0x50] =	vst v1  }
0xf3: {  	[tilespmem:s6+$0x60] =	vst v3  }
0xf4: {  	s8 =	simm.s32 $0x0;
	s6 =	rddreg [dreg:$0xa]  }
0xf5: {  	[hbm4b:s6+s8] =	stream.linear.scatter [tilespmem:s23], [sflag:$0x3], $0x8000, $0x38;
	[tilespmem:$0x19000] =	vst v63  }
0xf6: {  	_ =	swait.ge [sflag:s2], $0x8000  }
0xf7: {  	[sflag:s2] =	ssyncset.done $0x0  }
0xf8: {  	s9 =	rddreg [dreg:$0xb];
	[sflag:s2] =	ssyncadd.s32 $0xFFFF8000  }
0xf9: {  	[tilespmem:s21], [sflag:$0x2] =	stream.linear.gather [hbm4b:s9+s8], $0x8000, $0x38;
	[tilespmem:$0x19000] =	vst v63  }
0xfa: {  	_ =	swait.ge [sflag:s0], $0x8000  }
0xfb: {  	s10 =	sand.u32 $0x7C00, s8;
	s5 =	sand.u32 $0x380, s8;
	[sflag:s0] =	ssyncset.done $0x0  }
0xfc: {  	s5 =	sor.u32 s5, s10;
	[sflag:s0] =	ssyncadd.s32 $0xFFFF8000  }
0xfd: {  	v0 =	vld [tilespmem:s5+$0x1070]  }
0xfe: {  	v3 =	vld [tilespmem:s5+$0x1020]  }
0xff: {  	v1 =	vld [tilespmem:s5+$0x1000]  }
0x100: {  	v2 =	vld [tilespmem:s5+$0x1010]  }
0x101: {  	v4 =	vld [tilespmem:s5+$0x1030]  }
0x102: {  	s11 =	simm.s32 $0x400;
	s12 =	simm.s32 $0x4;
	v5 =	vld [tilespmem:s5+$0x1040]  }
0x103: {  	s7 =	sand.u32 $0x380, s12;
	s6 =	sand.u32 $0x7C00, s11;
	v6 =	vld [tilespmem:s5+$0x1050];
	vm15 =	vgt.s32 v3, $0x0  }
0x104: {  	s6 =	sor.u32 s7, s6;
	v7 =	vld [tilespmem:s5+$0x1060];
	v3 =	vnsel vm15, $0x0, v3  }
0x105: {  	v8 =	vld [tilespmem:s6+$0x1000];
	v3 =	vmin.u32 v3, $0xFFF  }
0x106: {  	v9 =	vld [tilespmem:s6+$0x1010]  }
0x107: {  	v11 =	vld [tilespmem:s6+$0x1020];
	vm0 =	vgt.s32 v0, $0x0  }
0x108: {  	v12 =	vld [tilespmem:s6+$0x1030];
	vm1 =	vgt.s32 v1, $0x0;
	v0 =	vnsel vm0, $0x0, v0  }
0x109: {  	v14 =	vld [tilespmem:s6+$0x1040];
	vm14 =	vgt.s32 v2, $0x0;
	v1 =	vnsel vm1, $0x0, v1;
	v0 =	vmin.u32 v0, $0xFFF  }
0x10a: {  	vm6 =	vgt.s32 v6, $0x0;
	v2 =	vnsel vm14, $0x0, v2;
	v1 =	vmin.u32 v1, $0xFFF;
	v10 =	vld.idx.msk [tilespmem:v3+s1+$0x0], $0xffff  }
0x10b: {  	vm7 =	vgt.s32 v7, $0x0;
	v6 =	vnsel vm6, $0x0, v6;
	v2 =	vmin.u32 v2, $0xFFF;
	v3 =	vld [tilespmem:s6+$0x1070]  }
0x10c: {  	v16 =	vld [tilespmem:s6+$0x1050];
	vm4 =	vgt.s32 v4, $0x0;
	v13 =	vmin.u32 v6, $0xFFF;
	v6 =	vnsel vm7, $0x0, v7  }
0x10d: {  	v17 =	vld [tilespmem:s6+$0x1060];
	vm5 =	vgt.s32 v5, $0x0;
	v4 =	vnsel vm4, $0x0, v4;
	v15 =	vmin.u32 v6, $0xFFF  }
0x10e: {  	v5 =	vnsel vm5, $0x0, v5;
	v4 =	vmin.u32 v4, $0xFFF;
	v0 =	vld.idx.msk [tilespmem:v0+s1+$0x0], $0xffff  }
0x10f: {  	vm9 =	vgt.s32 v8, $0x0;
	v5 =	vmin.u32 v5, $0xFFF;
	v1 =	vld.idx.msk [tilespmem:v1+s1+$0x0], $0xffff  }
0x110: {  	v6 =	vnsel vm9, $0x0, v8;
	v2 =	vld.idx.msk [tilespmem:v2+s1+$0x0], $0xffff;
	vm8 =	vgt.s32 v3, $0x0  }
0x111: {  	vm10 =	vgt.s32 v9, $0x0;
	v19 =	vmin.u32 v6, $0xFFF;
	v3 =	vnsel vm8, $0x0, v3  }
0x112: {  	vm11 =	vgt.s32 v11, $0x0;
	v6 =	vnsel vm10, $0x0, v9;
	v8 =	vld.idx.msk [tilespmem:v15+s1+$0x0], $0xffff;
	v18 =	vmin.u32 v3, $0xFFF  }
0x113: {  	v7 =	vnsel vm11, $0x0, v11;
	v6 =	vmin.u32 v6, $0xFFF;
	[tilespmem:s5+$0x1070] =	vst v0;
	v3 =	vld.idx.msk [tilespmem:v4+s1+$0x0], $0xffff  }
0x114: {  	vm12 =	vgt.s32 v12, $0x0;
	vm15 =	vgt.s32 v17, $0x0;
	v7 =	vmin.u32 v7, $0xFFF;
	[tilespmem:s5+$0x1000] =	vst v1;
	v4 =	vld.idx.msk [tilespmem:v5+s1+$0x0], $0xffff  }
0x115: {  	vm13 =	vgt.s32 v14, $0x0;
	vm14 =	vgt.s32 v16, $0x0;
	v11 =	vnsel vm15, $0x0, v17;
	[tilespmem:s5+$0x1010] =	vst v2;
	v5 =	vld.idx.msk [tilespmem:v13+s1+$0x0], $0xffff  }
0x116: {  	v0 =	vnsel vm12, $0x0, v12;
	v1 =	vnsel vm13, $0x0, v14;
	v2 =	vnsel vm14, $0x0, v16;
	[tilespmem:s5+$0x1020] =	vst v10;
	v10 =	vld.idx.msk [tilespmem:v19+s1+$0x0], $0xffff  }
0x117: {  	s7 =	simm.s32 $0x8;
	s8 =	simm.s32 $0x800;
	s9 =	simm.s32 $0x8;
	v0 =	vmin.u32 v0, $0xFFF;
	v1 =	vmin.u32 v1, $0xFFF;
	v2 =	vmin.u32 v2, $0xFFF;
	v9 =	vld.idx.msk [tilespmem:v18+s1+$0x0], $0xffff  }
.LBB2_10:
0x118: {  	s10 =	sand.u32 $0x7C00, s8;
	s11 =	sand.u32 $0x380, s9;
	s7 =	sadd.s32 $0x8, s7;
	v6 =	vld.idx.msk [tilespmem:v6+s1+$0x0], $0xffff;
	v11 =	vmin.u32 v11, $0xFFF;
	[tilespmem:s5+$0x1030] =	vst v3  }
0x119: {  	s10 =	sor.u32 s11, s10;
	p0 =	slt.u32 s7, $0x7F8;
	v3 =	vld.idx.msk [tilespmem:v7+s1+$0x0], $0xffff;
	[tilespmem:s5+$0x1040] =	vst v4  }
0x11a: {  	v4 =	vld [tilespmem:s10+$0x1070];
	[tilespmem:s5+$0x1050] =	vst v5  }
0x11b: {  	v5 =	vld [tilespmem:s10+$0x1000];
	[tilespmem:s5+$0x1060] =	vst v8;
	s5 =	smov.u32 s6;
	s6 =	smov.u32 s10  }
0x11c: {  	v7 =	vld [tilespmem:s6+$0x1010];
	[tilespmem:s5+$0x1070] =	vst v9  }
0x11d: {  	v8 =	vld [tilespmem:s6+$0x1020];
	[tilespmem:s5+$0x1000] =	vst v10  }
0x11e: {  	v9 =	vld [tilespmem:s6+$0x1030];
	[tilespmem:s5+$0x1010] =	vst v6  }
0x11f: {  	v10 =	vld [tilespmem:s6+$0x1040];
	vm0 =	vgt.s32 v4, $0x0;
	[tilespmem:s5+$0x1020] =	vst v3  }
0x120: {  	vm1 =	vgt.s32 v5, $0x0;
	v12 =	vld [tilespmem:s6+$0x1050];
	v3 =	vnsel vm0, $0x0, v4  }
0x121: {  	v4 =	vnsel vm1, $0x0, v5;
	vm0 =	vgt.s32 v7, $0x0;
	v13 =	vld [tilespmem:s6+$0x1060];
	v14 =	vmin.u32 v3, $0xFFF  }
0x122: {  	v15 =	vmin.u32 v4, $0xFFF;
	v4 =	vnsel vm0, $0x0, v7;
	vm0 =	vgt.s32 v8, $0x0;
	v3 =	vld.idx.msk [tilespmem:v0+s1+$0x0], $0xffff  }
.Ltmp4:
0x123: {  	v6 =	vmin.u32 v4, $0xFFF;
	v0 =	vnsel vm0, $0x0, v8;
	vm0 =	vgt.s32 v9, $0x0;
	v4 =	vld.idx.msk [tilespmem:v1+s1+$0x0], $0xffff;
	(pc) =	sbr.rel @p0 .LBB2_10-.Ltmp4, $4  }
0x124: {  	v7 =	vmin.u32 v0, $0xFFF;
	v0 =	vnsel vm0, $0x0, v9;
	vm0 =	vgt.s32 v10, $0x0;
	v5 =	vld.idx.msk [tilespmem:v2+s1+$0x0], $0xffff  }
0x125: {  	v0 =	vmin.u32 v0, $0xFFF;
	v1 =	vnsel vm0, $0x0, v10;
	vm0 =	vgt.s32 v12, $0x0;
	v8 =	vld.idx.msk [tilespmem:v11+s1+$0x0], $0xffff  }
0x126: {  	v1 =	vmin.u32 v1, $0xFFF;
	v2 =	vnsel vm0, $0x0, v12;
	vm0 =	vgt.s32 v13, $0x0;
	v9 =	vld.idx.msk [tilespmem:v14+s1+$0x0], $0xffff  }
0x127: {  	s8 =	sadd.s32 $0x400, s8;
	s9 =	sadd.s32 $0x4, s9;
	v10 =	vld.idx.msk [tilespmem:v15+s1+$0x0], $0xffff;
	v2 =	vmin.u32 v2, $0xFFF;
	v11 =	vnsel vm0, $0x0, v13  }
0x128: {  	_ =	sdelay $0x2  }
0x129: {  	[tilespmem:s5+$0x1030] =	vst v3  }
0x12a: {  	v3 =	vld.idx.msk [tilespmem:v6+s1+$0x0], $0xffff;
	v6 =	vmin.u32 v11, $0xFFF;
	[tilespmem:s5+$0x1040] =	vst v4  }
0x12b: {  	v4 =	vld.idx.msk [tilespmem:v7+s1+$0x0], $0xffff;
	[tilespmem:s5+$0x1050] =	vst v5  }
0x12c: {  	v0 =	vld.idx.msk [tilespmem:v0+s1+$0x0], $0xffff;
	[tilespmem:s5+$0x1060] =	vst v8  }
0x12d: {  	v1 =	vld.idx.msk [tilespmem:v1+s1+$0x0], $0xffff;
	[tilespmem:s6+$0x1070] =	vst v9  }
0x12e: {  	v2 =	vld.idx.msk [tilespmem:v2+s1+$0x0], $0xffff;
	[tilespmem:s6+$0x1000] =	vst v10  }
0x12f: {  	[tilespmem:s6+$0x1010] =	vst v3;
	v3 =	vld.idx.msk [tilespmem:v6+s1+$0x0], $0xffff  }
0x130: {  	[tilespmem:s6+$0x1020] =	vst v4  }
0x131: {  	[tilespmem:s6+$0x1030] =	vst v0  }
0x132: {  	[tilespmem:s6+$0x1040] =	vst v1  }
0x133: {  	[tilespmem:s6+$0x1050] =	vst v2  }
0x134: {  	[tilespmem:s6+$0x1060] =	vst v3  }
0x135: {  	s9 =	simm.s32 $0x0;
	s6 =	rddreg [dreg:$0xc]  }
0x136: {  	[hbm4b:s6+s9] =	stream.linear.scatter [tilespmem:s31], [sflag:$0x1], $0x8000, $0x38;
	[tilespmem:$0x19000] =	vst v63  }
0x137: {  	_ =	swait.ge [sflag:s3], $0x8000  }
0x138: {  	[sflag:s3] =	ssyncset.done $0x0  }
0x139: {  	s10 =	rddreg [dreg:$0xd];
	[sflag:s3] =	ssyncadd.s32 $0xFFFF8000  }
0x13a: {  	[tilespmem:s23], [sflag:$0x3] =	stream.linear.gather [hbm4b:s10+s9], $0x8000, $0x38;
	[tilespmem:$0x19000] =	vst v63  }
0x13b: {  	_ =	swait.ge [sflag:s2], $0x8000  }
0x13c: {  	s11 =	sand.u32 $0x7C00, s9;
	s5 =	sand.u32 $0x380, s9;
	[sflag:s2] =	ssyncset.done $0x0  }
0x13d: {  	s5 =	sor.u32 s5, s11;
	[sflag:s2] =	ssyncadd.s32 $0xFFFF8000  }
0x13e: {  	v0 =	vld [tilespmem:s5+$0x9070]  }
0x13f: {  	v3 =	vld [tilespmem:s5+$0x9020]  }
0x140: {  	v1 =	vld [tilespmem:s5+$0x9000]  }
0x141: {  	v2 =	vld [tilespmem:s5+$0x9010]  }
0x142: {  	v4 =	vld [tilespmem:s5+$0x9030]  }
0x143: {  	s12 =	simm.s32 $0x400;
	s7 =	simm.s32 $0x4;
	v5 =	vld [tilespmem:s5+$0x9040]  }
0x144: {  	s7 =	sand.u32 $0x380, s7;
	s6 =	sand.u32 $0x7C00, s12;
	v6 =	vld [tilespmem:s5+$0x9050];
	vm15 =	vgt.s32 v3, $0x0  }
0x145: {  	s6 =	sor.u32 s7, s6;
	v7 =	vld [tilespmem:s5+$0x9060];
	v3 =	vnsel vm15, $0x0, v3  }
0x146: {  	v8 =	vld [tilespmem:s6+$0x9000];
	v3 =	vmin.u32 v3, $0xFFF  }
0x147: {  	v9 =	vld [tilespmem:s6+$0x9010]  }
0x148: {  	v11 =	vld [tilespmem:s6+$0x9020];
	vm0 =	vgt.s32 v0, $0x0  }
0x149: {  	v12 =	vld [tilespmem:s6+$0x9030];
	vm1 =	vgt.s32 v1, $0x0;
	v0 =	vnsel vm0, $0x0, v0  }
0x14a: {  	v14 =	vld [tilespmem:s6+$0x9040];
	vm14 =	vgt.s32 v2, $0x0;
	v1 =	vnsel vm1, $0x0, v1;
	v0 =	vmin.u32 v0, $0xFFF  }
0x14b: {  	vm6 =	vgt.s32 v6, $0x0;
	v2 =	vnsel vm14, $0x0, v2;
	v1 =	vmin.u32 v1, $0xFFF;
	v10 =	vld.idx.msk [tilespmem:v3+s1+$0x0], $0xffff  }
0x14c: {  	vm7 =	vgt.s32 v7, $0x0;
	v6 =	vnsel vm6, $0x0, v6;
	v2 =	vmin.u32 v2, $0xFFF;
	v3 =	vld [tilespmem:s6+$0x9070]  }
0x14d: {  	v16 =	vld [tilespmem:s6+$0x9050];
	vm4 =	vgt.s32 v4, $0x0;
	v13 =	vmin.u32 v6, $0xFFF;
	v6 =	vnsel vm7, $0x0, v7  }
0x14e: {  	v17 =	vld [tilespmem:s6+$0x9060];
	vm5 =	vgt.s32 v5, $0x0;
	v4 =	vnsel vm4, $0x0, v4;
	v15 =	vmin.u32 v6, $0xFFF  }
0x14f: {  	v5 =	vnsel vm5, $0x0, v5;
	v4 =	vmin.u32 v4, $0xFFF;
	v0 =	vld.idx.msk [tilespmem:v0+s1+$0x0], $0xffff  }
0x150: {  	vm9 =	vgt.s32 v8, $0x0;
	v5 =	vmin.u32 v5, $0xFFF;
	v1 =	vld.idx.msk [tilespmem:v1+s1+$0x0], $0xffff  }
0x151: {  	v6 =	vnsel vm9, $0x0, v8;
	v2 =	vld.idx.msk [tilespmem:v2+s1+$0x0], $0xffff;
	vm8 =	vgt.s32 v3, $0x0  }
0x152: {  	vm10 =	vgt.s32 v9, $0x0;
	v19 =	vmin.u32 v6, $0xFFF;
	v3 =	vnsel vm8, $0x0, v3  }
0x153: {  	vm11 =	vgt.s32 v11, $0x0;
	v6 =	vnsel vm10, $0x0, v9;
	v8 =	vld.idx.msk [tilespmem:v15+s1+$0x0], $0xffff;
	v18 =	vmin.u32 v3, $0xFFF  }
0x154: {  	v7 =	vnsel vm11, $0x0, v11;
	v6 =	vmin.u32 v6, $0xFFF;
	[tilespmem:s5+$0x9070] =	vst v0;
	v3 =	vld.idx.msk [tilespmem:v4+s1+$0x0], $0xffff  }
0x155: {  	vm12 =	vgt.s32 v12, $0x0;
	vm15 =	vgt.s32 v17, $0x0;
	v7 =	vmin.u32 v7, $0xFFF;
	[tilespmem:s5+$0x9000] =	vst v1;
	v4 =	vld.idx.msk [tilespmem:v5+s1+$0x0], $0xffff  }
0x156: {  	vm13 =	vgt.s32 v14, $0x0;
	vm14 =	vgt.s32 v16, $0x0;
	v11 =	vnsel vm15, $0x0, v17;
	[tilespmem:s5+$0x9010] =	vst v2;
	v5 =	vld.idx.msk [tilespmem:v13+s1+$0x0], $0xffff  }
0x157: {  	v0 =	vnsel vm12, $0x0, v12;
	v1 =	vnsel vm13, $0x0, v14;
	v2 =	vnsel vm14, $0x0, v16;
	[tilespmem:s5+$0x9020] =	vst v10;
	v10 =	vld.idx.msk [tilespmem:v19+s1+$0x0], $0xffff  }
0x158: {  	s8 =	simm.s32 $0x800;
	s7 =	simm.s32 $0x8;
	s9 =	simm.s32 $0x8;
	v0 =	vmin.u32 v0, $0xFFF;
	v1 =	vmin.u32 v1, $0xFFF;
	v2 =	vmin.u32 v2, $0xFFF;
	v9 =	vld.idx.msk [tilespmem:v18+s1+$0x0], $0xffff  }
.LBB2_12:
0x159: {  	s10 =	sand.u32 $0x7C00, s8;
	s11 =	sand.u32 $0x380, s9;
	s7 =	sadd.s32 $0x8, s7;
	v6 =	vld.idx.msk [tilespmem:v6+s1+$0x0], $0xffff;
	v11 =	vmin.u32 v11, $0xFFF;
	[tilespmem:s5+$0x9030] =	vst v3  }
0x15a: {  	s10 =	sor.u32 s11, s10;
	p0 =	slt.u32 s7, $0x7F8;
	v3 =	vld.idx.msk [tilespmem:v7+s1+$0x0], $0xffff;
	[tilespmem:s5+$0x9040] =	vst v4  }
0x15b: {  	v4 =	vld [tilespmem:s10+$0x9070];
	[tilespmem:s5+$0x9050] =	vst v5  }
0x15c: {  	v5 =	vld [tilespmem:s10+$0x9000];
	[tilespmem:s5+$0x9060] =	vst v8;
	s5 =	smov.u32 s6;
	s6 =	smov.u32 s10  }
0x15d: {  	v7 =	vld [tilespmem:s6+$0x9010];
	[tilespmem:s5+$0x9070] =	vst v9  }
0x15e: {  	v8 =	vld [tilespmem:s6+$0x9020];
	[tilespmem:s5+$0x9000] =	vst v10  }
0x15f: {  	v9 =	vld [tilespmem:s6+$0x9030];
	[tilespmem:s5+$0x9010] =	vst v6  }
0x160: {  	v10 =	vld [tilespmem:s6+$0x9040];
	vm0 =	vgt.s32 v4, $0x0;
	[tilespmem:s5+$0x9020] =	vst v3  }
0x161: {  	vm1 =	vgt.s32 v5, $0x0;
	v12 =	vld [tilespmem:s6+$0x9050];
	v3 =	vnsel vm0, $0x0, v4  }
0x162: {  	v4 =	vnsel vm1, $0x0, v5;
	vm0 =	vgt.s32 v7, $0x0;
	v13 =	vld [tilespmem:s6+$0x9060];
	v14 =	vmin.u32 v3, $0xFFF  }
0x163: {  	v15 =	vmin.u32 v4, $0xFFF;
	v4 =	vnsel vm0, $0x0, v7;
	vm0 =	vgt.s32 v8, $0x0;
	v3 =	vld.idx.msk [tilespmem:v0+s1+$0x0], $0xffff  }
.Ltmp5:
0x164: {  	v6 =	vmin.u32 v4, $0xFFF;
	v0 =	vnsel vm0, $0x0, v8;
	vm0 =	vgt.s32 v9, $0x0;
	v4 =	vld.idx.msk [tilespmem:v1+s1+$0x0], $0xffff;
	(pc) =	sbr.rel @p0 .LBB2_12-.Ltmp5, $4  }
0x165: {  	v7 =	vmin.u32 v0, $0xFFF;
	v0 =	vnsel vm0, $0x0, v9;
	vm0 =	vgt.s32 v10, $0x0;
	v5 =	vld.idx.msk [tilespmem:v2+s1+$0x0], $0xffff  }
0x166: {  	v0 =	vmin.u32 v0, $0xFFF;
	v1 =	vnsel vm0, $0x0, v10;
	vm0 =	vgt.s32 v12, $0x0;
	v8 =	vld.idx.msk [tilespmem:v11+s1+$0x0], $0xffff  }
0x167: {  	v1 =	vmin.u32 v1, $0xFFF;
	v2 =	vnsel vm0, $0x0, v12;
	vm0 =	vgt.s32 v13, $0x0;
	v9 =	vld.idx.msk [tilespmem:v14+s1+$0x0], $0xffff  }
0x168: {  	s8 =	sadd.s32 $0x400, s8;
	s9 =	sadd.s32 $0x4, s9;
	v10 =	vld.idx.msk [tilespmem:v15+s1+$0x0], $0xffff;
	v2 =	vmin.u32 v2, $0xFFF;
	v11 =	vnsel vm0, $0x0, v13  }
0x169: {  	_ =	sdelay $0x2  }
0x16a: {  	[tilespmem:s5+$0x9030] =	vst v3  }
0x16b: {  	v3 =	vld.idx.msk [tilespmem:v6+s1+$0x0], $0xffff;
	v6 =	vmin.u32 v11, $0xFFF;
	[tilespmem:s5+$0x9040] =	vst v4  }
0x16c: {  	v4 =	vld.idx.msk [tilespmem:v7+s1+$0x0], $0xffff;
	[tilespmem:s5+$0x9050] =	vst v5  }
0x16d: {  	v0 =	vld.idx.msk [tilespmem:v0+s1+$0x0], $0xffff;
	[tilespmem:s5+$0x9060] =	vst v8  }
0x16e: {  	v1 =	vld.idx.msk [tilespmem:v1+s1+$0x0], $0xffff;
	[tilespmem:s6+$0x9070] =	vst v9  }
0x16f: {  	v2 =	vld.idx.msk [tilespmem:v2+s1+$0x0], $0xffff;
	[tilespmem:s6+$0x9000] =	vst v10  }
0x170: {  	[tilespmem:s6+$0x9010] =	vst v3;
	v3 =	vld.idx.msk [tilespmem:v6+s1+$0x0], $0xffff  }
0x171: {  	[tilespmem:s6+$0x9020] =	vst v4  }
0x172: {  	[tilespmem:s6+$0x9030] =	vst v0  }
0x173: {  	[tilespmem:s6+$0x9040] =	vst v1  }
0x174: {  	[tilespmem:s6+$0x9050] =	vst v2  }
0x175: {  	[tilespmem:s6+$0x9060] =	vst v3  }
0x176: {  	s10 =	simm.s32 $0x0;
	s6 =	rddreg [dreg:$0xe]  }
0x177: {  	[hbm4b:s6+s10] =	stream.linear.scatter [tilespmem:s21], [sflag:$0x2], $0x8000, $0x38;
	[tilespmem:$0x19000] =	vst v63  }
0x178: {  	_ =	swait.ge [sflag:s0], $0x8000  }
0x179: {  	[sflag:s0] =	ssyncset.done $0x0  }
0x17a: {  	[sflag:s0] =	ssyncadd.s32 $0xFFFF8000  }
0x17b: {  	[tilespmem:s31], [sflag:$0x1] =	stream.linear.gather [hbm4b:s13+s10], $0x8000, $0x38;
	[tilespmem:$0x19000] =	vst v63  }
0x17c: {  	s11 =	sand.u32 $0x7C00, s10;
	s5 =	sand.u32 $0x380, s10;
	_ =	swait.ge [sflag:s3], $0x8000  }
0x17d: {  	s8 =	sor.u32 s5, s11;
	[sflag:s3] =	ssyncset.done $0x0  }
0x17e: {  	s5 =	sadd.s32 $0x11000, s8;
	[sflag:s3] =	ssyncadd.s32 $0xFFFF8000  }
0x17f: {  	v3 =	vld [tilespmem:s5+$0x20];
	_ =	sdelay $0x1  }
0x180: {  	v0 =	vld [tilespmem:s8+$0x11000]  }
0x181: {  	v1 =	vld [tilespmem:s5+$0x70]  }
0x182: {  	v2 =	vld [tilespmem:s5+$0x10]  }
0x183: {  	s12 =	simm.s32 $0x400;
	s7 =	simm.s32 $0x4;
	v4 =	vld [tilespmem:s5+$0x30];
	vm15 =	vgt.s32 v3, $0x0  }
0x184: {  	s7 =	sand.u32 $0x380, s7;
	s6 =	sand.u32 $0x7C00, s12;
	v5 =	vld [tilespmem:s5+$0x40];
	v3 =	vnsel vm15, $0x0, v3  }
0x185: {  	s7 =	sor.u32 s7, s6;
	v6 =	vld [tilespmem:s5+$0x50];
	v3 =	vmin.u32 v3, $0xFFF  }
0x186: {  	s6 =	sadd.s32 $0x11000, s7;
	v7 =	vld [tilespmem:s5+$0x60]  }
0x187: {  	v8 =	vld [tilespmem:s6+$0x70]  }
0x188: {  	v9 =	vld [tilespmem:s6+$0x10]  }
0x189: {  	v11 =	vld [tilespmem:s6+$0x20];
	vm0 =	vgt.s32 v0, $0x0;
	vm14 =	vgt.s32 v1, $0x0;
	vm1 =	vgt.s32 v2, $0x0  }
0x18a: {  	vm4 =	vgt.s32 v4, $0x0;
	vm6 =	vgt.s32 v6, $0x0;
	v0 =	vnsel vm0, $0x0, v0;
	v10 =	vld.idx.msk [tilespmem:v3+s1+$0x0], $0xffff  }
0x18b: {  	vm7 =	vgt.s32 v7, $0x0;
	v1 =	vnsel vm14, $0x0, v1;
	v0 =	vmin.u32 v0, $0xFFF;
	v3 =	vld [tilespmem:s7+$0x11000]  }
0x18c: {  	v12 =	vld [tilespmem:s6+$0x30];
	v2 =	vnsel vm1, $0x0, v2;
	v6 =	vnsel vm6, $0x0, v6;
	v1 =	vmin.u32 v1, $0xFFF  }
0x18d: {  	v15 =	vld [tilespmem:s6+$0x50];
	v2 =	vmin.u32 v2, $0xFFF;
	v13 =	vmin.u32 v6, $0xFFF;
	v6 =	vnsel vm7, $0x0, v7  }
0x18e: {  	v17 =	vld [tilespmem:s6+$0x60];
	vm5 =	vgt.s32 v5, $0x0;
	v4 =	vnsel vm4, $0x0, v4;
	v14 =	vmin.u32 v6, $0xFFF  }
0x18f: {  	v5 =	vnsel vm5, $0x0, v5;
	v4 =	vmin.u32 v4, $0xFFF;
	v7 =	vld [tilespmem:s6+$0x40]  }
0x190: {  	v5 =	vmin.u32 v5, $0xFFF;
	v0 =	vld.idx.msk [tilespmem:v0+s1+$0x0], $0xffff;
	vm8 =	vgt.s32 v3, $0x0  }
0x191: {  	vm9 =	vgt.s32 v8, $0x0;
	v1 =	vld.idx.msk [tilespmem:v1+s1+$0x0], $0xffff;
	v3 =	vnsel vm8, $0x0, v3  }
0x192: {  	vm10 =	vgt.s32 v9, $0x0;
	v2 =	vld.idx.msk [tilespmem:v2+s1+$0x0], $0xffff;
	v16 =	vmin.u32 v3, $0xFFF;
	v3 =	vnsel vm9, $0x0, v8  }
0x193: {  	vm11 =	vgt.s32 v11, $0x0;
	v6 =	vnsel vm10, $0x0, v9;
	v9 =	vld.idx.msk [tilespmem:v14+s1+$0x0], $0xffff;
	v18 =	vmin.u32 v3, $0xFFF  }
0x194: {  	v6 =	vmin.u32 v6, $0xFFF;
	v8 =	vnsel vm11, $0x0, v11;
	v3 =	vld.idx.msk [tilespmem:v4+s1+$0x0], $0xffff  }
0x195: {  	vm12 =	vgt.s32 v12, $0x0;
	vm14 =	vgt.s32 v15, $0x0;
	[tilespmem:s8+$0x11000] =	vst v0;
	v4 =	vld.idx.msk [tilespmem:v5+s1+$0x0], $0xffff;
	v8 =	vmin.u32 v8, $0xFFF  }
0x196: {  	vm15 =	vgt.s32 v17, $0x0;
	vm13 =	vgt.s32 v7, $0x0;
	v0 =	vnsel vm12, $0x0, v12;
	[tilespmem:s5+$0x70] =	vst v1;
	v5 =	vld.idx.msk [tilespmem:v13+s1+$0x0], $0xffff  }
0x197: {  	v1 =	vnsel vm13, $0x0, v7;
	[tilespmem:s5+$0x10] =	vst v2;
	v0 =	vmin.u32 v0, $0xFFF;
	v11 =	vnsel vm14, $0x0, v15;
	v7 =	vld.idx.msk [tilespmem:v16+s1+$0x0], $0xffff  }
0x198: {  	s9 =	simm.s32 $0x800;
	s10 =	simm.s32 $0x8;
	[tilespmem:s5+$0x20] =	vst v10;
	s8 =	simm.s32 $0x8;
	v2 =	vmin.u32 v1, $0xFFF;
	v1 =	vmin.u32 v11, $0xFFF;
	v11 =	vnsel vm15, $0x0, v17;
	v10 =	vld.idx.msk [tilespmem:v18+s1+$0x0], $0xffff  }
.LBB2_14:
0x199: {  	s11 =	sand.u32 $0x7C00, s9;
	s12 =	sand.u32 $0x380, s10;
	s8 =	sadd.s32 $0x8, s8;
	v6 =	vld.idx.msk [tilespmem:v6+s1+$0x0], $0xffff;
	v11 =	vmin.u32 v11, $0xFFF;
	[tilespmem:s5+$0x30] =	vst v3  }
0x19a: {  	s11 =	sor.u32 s12, s11;
	p0 =	slt.u32 s8, $0x7F8;
	v3 =	vld.idx.msk [tilespmem:v8+s1+$0x0], $0xffff;
	[tilespmem:s5+$0x40] =	vst v4  }
0x19b: {  	s12 =	sadd.s32 $0x11000, s11;
	v4 =	vld [tilespmem:s11+$0x11000];
	[tilespmem:s5+$0x50] =	vst v5  }
0x19c: {  	v5 =	vld [tilespmem:s12+$0x70];
	[tilespmem:s5+$0x60] =	vst v9;
	s5 =	smov.u32 s6;
	s6 =	smov.u32 s12  }
0x19d: {  	v8 =	vld [tilespmem:s6+$0x10];
	[tilespmem:s7+$0x11000] =	vst v7;
	s7 =	smov.u32 s11  }
0x19e: {  	v7 =	vld [tilespmem:s6+$0x20];
	[tilespmem:s5+$0x70] =	vst v10  }
0x19f: {  	v9 =	vld [tilespmem:s6+$0x30];
	[tilespmem:s5+$0x10] =	vst v6  }
0x1a0: {  	vm0 =	vgt.s32 v4, $0x0;
	v10 =	vld [tilespmem:s6+$0x40];
	[tilespmem:s5+$0x20] =	vst v3  }
0x1a1: {  	v3 =	vnsel vm0, $0x0, v4;
	v12 =	vld [tilespmem:s6+$0x50];
	vm0 =	vgt.s32 v5, $0x0  }
0x1a2: {  	v13 =	vmin.u32 v3, $0xFFF;
	vm1 =	vgt.s32 v8, $0x0;
	v14 =	vld [tilespmem:s6+$0x60];
	v3 =	vnsel vm0, $0x0, v5  }
0x1a3: {  	v4 =	vnsel vm1, $0x0, v8;
	vm0 =	vgt.s32 v7, $0x0;
	v15 =	vmin.u32 v3, $0xFFF;
	v3 =	vld.idx.msk [tilespmem:v0+s1+$0x0], $0xffff  }
.Ltmp6:
0x1a4: {  	v6 =	vmin.u32 v4, $0xFFF;
	v0 =	vnsel vm0, $0x0, v7;
	vm0 =	vgt.s32 v9, $0x0;
	v4 =	vld.idx.msk [tilespmem:v2+s1+$0x0], $0xffff;
	(pc) =	sbr.rel @p0 .LBB2_14-.Ltmp6, $4  }
0x1a5: {  	v8 =	vmin.u32 v0, $0xFFF;
	v0 =	vnsel vm0, $0x0, v9;
	vm0 =	vgt.s32 v10, $0x0;
	v5 =	vld.idx.msk [tilespmem:v1+s1+$0x0], $0xffff  }
0x1a6: {  	v0 =	vmin.u32 v0, $0xFFF;
	v1 =	vnsel vm0, $0x0, v10;
	vm0 =	vgt.s32 v12, $0x0;
	v9 =	vld.idx.msk [tilespmem:v11+s1+$0x0], $0xffff  }
0x1a7: {  	v7 =	vld.idx.msk [tilespmem:v13+s1+$0x0], $0xffff;
	v2 =	vmin.u32 v1, $0xFFF;
	v1 =	vnsel vm0, $0x0, v12;
	vm0 =	vgt.s32 v14, $0x0  }
0x1a8: {  	s9 =	sadd.s32 $0x400, s9;
	s10 =	sadd.s32 $0x4, s10;
	v1 =	vmin.u32 v1, $0xFFF;
	v11 =	vnsel vm0, $0x0, v14;
	v10 =	vld.idx.msk [tilespmem:v15+s1+$0x0], $0xffff  }
0x1a9: {  	_ =	sdelay $0x2  }
0x1aa: {  	[tilespmem:s5+$0x30] =	vst v3  }
0x1ab: {  	v3 =	vld.idx.msk [tilespmem:v6+s1+$0x0], $0xffff;
	v6 =	vmin.u32 v11, $0xFFF;
	[tilespmem:s5+$0x40] =	vst v4  }
0x1ac: {  	v4 =	vld.idx.msk [tilespmem:v8+s1+$0x0], $0xffff;
	[tilespmem:s5+$0x50] =	vst v5  }
0x1ad: {  	v0 =	vld.idx.msk [tilespmem:v0+s1+$0x0], $0xffff;
	[tilespmem:s5+$0x60] =	vst v9  }
0x1ae: {  	v2 =	vld.idx.msk [tilespmem:v2+s1+$0x0], $0xffff;
	[tilespmem:s7+$0x11000] =	vst v7  }
0x1af: {  	v1 =	vld.idx.msk [tilespmem:v1+s1+$0x0], $0xffff;
	[tilespmem:s6+$0x70] =	vst v10  }
0x1b0: {  	[tilespmem:s6+$0x10] =	vst v3;
	v3 =	vld.idx.msk [tilespmem:v6+s1+$0x0], $0xffff  }
0x1b1: {  	[tilespmem:s6+$0x20] =	vst v4  }
0x1b2: {  	[tilespmem:s6+$0x30] =	vst v0  }
0x1b3: {  	[tilespmem:s6+$0x40] =	vst v2  }
0x1b4: {  	[tilespmem:s6+$0x50] =	vst v1  }
0x1b5: {  	s9 =	simm.s32 $0x0;
	[tilespmem:s6+$0x60] =	vst v3  }
0x1b6: {  	[hbm4b:s14+s9] =	stream.linear.scatter [tilespmem:s23], [sflag:$0x3], $0x8000, $0x38;
	[tilespmem:$0x19000] =	vst v63  }
0x1b7: {  	_ =	swait.ge [sflag:s2], $0x8000  }
0x1b8: {  	[sflag:s2] =	ssyncset.done $0x0  }
0x1b9: {  	[sflag:s2] =	ssyncadd.s32 $0xFFFF8000  }
0x1ba: {  	[tilespmem:s21], [sflag:$0x2] =	stream.linear.gather [hbm4b:s15+s9], $0x8000, $0x38;
	[tilespmem:$0x19000] =	vst v63  }
0x1bb: {  	_ =	swait.ge [sflag:s0], $0x8000  }
0x1bc: {  	s10 =	sand.u32 $0x7C00, s9;
	s5 =	sand.u32 $0x380, s9;
	[sflag:s0] =	ssyncset.done $0x0  }
0x1bd: {  	s5 =	sor.u32 s5, s10;
	[sflag:s0] =	ssyncadd.s32 $0xFFFF8000  }
0x1be: {  	v0 =	vld [tilespmem:s5+$0x1070]  }
0x1bf: {  	v3 =	vld [tilespmem:s5+$0x1020]  }
0x1c0: {  	v1 =	vld [tilespmem:s5+$0x1000]  }
0x1c1: {  	v2 =	vld [tilespmem:s5+$0x1010]  }
0x1c2: {  	v4 =	vld [tilespmem:s5+$0x1030]  }
0x1c3: {  	s11 =	simm.s32 $0x400;
	s12 =	simm.s32 $0x4;
	v5 =	vld [tilespmem:s5+$0x1040]  }
0x1c4: {  	s7 =	sand.u32 $0x380, s12;
	s6 =	sand.u32 $0x7C00, s11;
	v6 =	vld [tilespmem:s5+$0x1050];
	vm15 =	vgt.s32 v3, $0x0  }
0x1c5: {  	s6 =	sor.u32 s7, s6;
	v7 =	vld [tilespmem:s5+$0x1060];
	v3 =	vnsel vm15, $0x0, v3  }
0x1c6: {  	v8 =	vld [tilespmem:s6+$0x1000];
	v3 =	vmin.u32 v3, $0xFFF  }
0x1c7: {  	v9 =	vld [tilespmem:s6+$0x1010]  }
0x1c8: {  	v11 =	vld [tilespmem:s6+$0x1020];
	vm0 =	vgt.s32 v0, $0x0  }
0x1c9: {  	v12 =	vld [tilespmem:s6+$0x1030];
	vm1 =	vgt.s32 v1, $0x0;
	v0 =	vnsel vm0, $0x0, v0  }
0x1ca: {  	v14 =	vld [tilespmem:s6+$0x1040];
	vm14 =	vgt.s32 v2, $0x0;
	v1 =	vnsel vm1, $0x0, v1;
	v0 =	vmin.u32 v0, $0xFFF  }
0x1cb: {  	vm6 =	vgt.s32 v6, $0x0;
	v2 =	vnsel vm14, $0x0, v2;
	v1 =	vmin.u32 v1, $0xFFF;
	v10 =	vld.idx.msk [tilespmem:v3+s1+$0x0], $0xffff  }
0x1cc: {  	vm7 =	vgt.s32 v7, $0x0;
	v6 =	vnsel vm6, $0x0, v6;
	v2 =	vmin.u32 v2, $0xFFF;
	v3 =	vld [tilespmem:s6+$0x1070]  }
0x1cd: {  	v16 =	vld [tilespmem:s6+$0x1050];
	vm4 =	vgt.s32 v4, $0x0;
	v13 =	vmin.u32 v6, $0xFFF;
	v6 =	vnsel vm7, $0x0, v7  }
0x1ce: {  	v17 =	vld [tilespmem:s6+$0x1060];
	vm5 =	vgt.s32 v5, $0x0;
	v4 =	vnsel vm4, $0x0, v4;
	v15 =	vmin.u32 v6, $0xFFF  }
0x1cf: {  	v5 =	vnsel vm5, $0x0, v5;
	v4 =	vmin.u32 v4, $0xFFF;
	v0 =	vld.idx.msk [tilespmem:v0+s1+$0x0], $0xffff  }
0x1d0: {  	vm9 =	vgt.s32 v8, $0x0;
	v5 =	vmin.u32 v5, $0xFFF;
	v1 =	vld.idx.msk [tilespmem:v1+s1+$0x0], $0xffff  }
0x1d1: {  	v6 =	vnsel vm9, $0x0, v8;
	v2 =	vld.idx.msk [tilespmem:v2+s1+$0x0], $0xffff;
	vm8 =	vgt.s32 v3, $0x0  }
0x1d2: {  	vm10 =	vgt.s32 v9, $0x0;
	v19 =	vmin.u32 v6, $0xFFF;
	v3 =	vnsel vm8, $0x0, v3  }
0x1d3: {  	vm11 =	vgt.s32 v11, $0x0;
	v6 =	vnsel vm10, $0x0, v9;
	v8 =	vld.idx.msk [tilespmem:v15+s1+$0x0], $0xffff;
	v18 =	vmin.u32 v3, $0xFFF  }
0x1d4: {  	v7 =	vnsel vm11, $0x0, v11;
	v6 =	vmin.u32 v6, $0xFFF;
	[tilespmem:s5+$0x1070] =	vst v0;
	v3 =	vld.idx.msk [tilespmem:v4+s1+$0x0], $0xffff  }
0x1d5: {  	vm12 =	vgt.s32 v12, $0x0;
	vm15 =	vgt.s32 v17, $0x0;
	v7 =	vmin.u32 v7, $0xFFF;
	[tilespmem:s5+$0x1000] =	vst v1;
	v4 =	vld.idx.msk [tilespmem:v5+s1+$0x0], $0xffff  }
0x1d6: {  	vm13 =	vgt.s32 v14, $0x0;
	vm14 =	vgt.s32 v16, $0x0;
	v11 =	vnsel vm15, $0x0, v17;
	[tilespmem:s5+$0x1010] =	vst v2;
	v5 =	vld.idx.msk [tilespmem:v13+s1+$0x0], $0xffff  }
0x1d7: {  	v0 =	vnsel vm12, $0x0, v12;
	v1 =	vnsel vm13, $0x0, v14;
	v2 =	vnsel vm14, $0x0, v16;
	[tilespmem:s5+$0x1020] =	vst v10;
	v10 =	vld.idx.msk [tilespmem:v19+s1+$0x0], $0xffff  }
0x1d8: {  	s8 =	simm.s32 $0x800;
	s7 =	simm.s32 $0x8;
	s9 =	simm.s32 $0x8;
	v0 =	vmin.u32 v0, $0xFFF;
	v1 =	vmin.u32 v1, $0xFFF;
	v2 =	vmin.u32 v2, $0xFFF;
	v9 =	vld.idx.msk [tilespmem:v18+s1+$0x0], $0xffff  }
.LBB2_16:
0x1d9: {  	s10 =	sand.u32 $0x7C00, s8;
	s11 =	sand.u32 $0x380, s9;
	s7 =	sadd.s32 $0x8, s7;
	v6 =	vld.idx.msk [tilespmem:v6+s1+$0x0], $0xffff;
	v11 =	vmin.u32 v11, $0xFFF;
	[tilespmem:s5+$0x1030] =	vst v3  }
0x1da: {  	s10 =	sor.u32 s11, s10;
	p0 =	slt.u32 s7, $0x7F8;
	v3 =	vld.idx.msk [tilespmem:v7+s1+$0x0], $0xffff;
	[tilespmem:s5+$0x1040] =	vst v4  }
0x1db: {  	v4 =	vld [tilespmem:s10+$0x1070];
	[tilespmem:s5+$0x1050] =	vst v5  }
0x1dc: {  	v5 =	vld [tilespmem:s10+$0x1000];
	[tilespmem:s5+$0x1060] =	vst v8;
	s5 =	smov.u32 s6;
	s6 =	smov.u32 s10  }
0x1dd: {  	v7 =	vld [tilespmem:s6+$0x1010];
	[tilespmem:s5+$0x1070] =	vst v9  }
0x1de: {  	v8 =	vld [tilespmem:s6+$0x1020];
	[tilespmem:s5+$0x1000] =	vst v10  }
0x1df: {  	v9 =	vld [tilespmem:s6+$0x1030];
	[tilespmem:s5+$0x1010] =	vst v6  }
0x1e0: {  	v10 =	vld [tilespmem:s6+$0x1040];
	vm0 =	vgt.s32 v4, $0x0;
	[tilespmem:s5+$0x1020] =	vst v3  }
0x1e1: {  	vm1 =	vgt.s32 v5, $0x0;
	v12 =	vld [tilespmem:s6+$0x1050];
	v3 =	vnsel vm0, $0x0, v4  }
0x1e2: {  	v4 =	vnsel vm1, $0x0, v5;
	vm0 =	vgt.s32 v7, $0x0;
	v13 =	vld [tilespmem:s6+$0x1060];
	v14 =	vmin.u32 v3, $0xFFF  }
0x1e3: {  	v15 =	vmin.u32 v4, $0xFFF;
	v4 =	vnsel vm0, $0x0, v7;
	vm0 =	vgt.s32 v8, $0x0;
	v3 =	vld.idx.msk [tilespmem:v0+s1+$0x0], $0xffff  }
.Ltmp7:
0x1e4: {  	v6 =	vmin.u32 v4, $0xFFF;
	v0 =	vnsel vm0, $0x0, v8;
	vm0 =	vgt.s32 v9, $0x0;
	v4 =	vld.idx.msk [tilespmem:v1+s1+$0x0], $0xffff;
	(pc) =	sbr.rel @p0 .LBB2_16-.Ltmp7, $4  }
0x1e5: {  	v7 =	vmin.u32 v0, $0xFFF;
	v0 =	vnsel vm0, $0x0, v9;
	vm0 =	vgt.s32 v10, $0x0;
	v5 =	vld.idx.msk [tilespmem:v2+s1+$0x0], $0xffff  }
0x1e6: {  	v0 =	vmin.u32 v0, $0xFFF;
	v1 =	vnsel vm0, $0x0, v10;
	vm0 =	vgt.s32 v12, $0x0;
	v8 =	vld.idx.msk [tilespmem:v11+s1+$0x0], $0xffff  }
0x1e7: {  	v1 =	vmin.u32 v1, $0xFFF;
	v2 =	vnsel vm0, $0x0, v12;
	vm0 =	vgt.s32 v13, $0x0;
	v9 =	vld.idx.msk [tilespmem:v14+s1+$0x0], $0xffff  }
0x1e8: {  	s8 =	sadd.s32 $0x400, s8;
	s9 =	sadd.s32 $0x4, s9;
	v10 =	vld.idx.msk [tilespmem:v15+s1+$0x0], $0xffff;
	v2 =	vmin.u32 v2, $0xFFF;
	v11 =	vnsel vm0, $0x0, v13  }
0x1e9: {  	_ =	sdelay $0x2  }
0x1ea: {  	[tilespmem:s5+$0x1030] =	vst v3  }
0x1eb: {  	v3 =	vld.idx.msk [tilespmem:v6+s1+$0x0], $0xffff;
	v6 =	vmin.u32 v11, $0xFFF;
	[tilespmem:s5+$0x1040] =	vst v4  }
0x1ec: {  	v4 =	vld.idx.msk [tilespmem:v7+s1+$0x0], $0xffff;
	[tilespmem:s5+$0x1050] =	vst v5  }
0x1ed: {  	v0 =	vld.idx.msk [tilespmem:v0+s1+$0x0], $0xffff;
	[tilespmem:s5+$0x1060] =	vst v8  }
0x1ee: {  	v1 =	vld.idx.msk [tilespmem:v1+s1+$0x0], $0xffff;
	[tilespmem:s6+$0x1070] =	vst v9  }
0x1ef: {  	v2 =	vld.idx.msk [tilespmem:v2+s1+$0x0], $0xffff;
	[tilespmem:s6+$0x1000] =	vst v10  }
0x1f0: {  	[tilespmem:s6+$0x1010] =	vst v3;
	v3 =	vld.idx.msk [tilespmem:v6+s1+$0x0], $0xffff  }
0x1f1: {  	[tilespmem:s6+$0x1020] =	vst v4  }
0x1f2: {  	[tilespmem:s6+$0x1030] =	vst v0  }
0x1f3: {  	[tilespmem:s6+$0x1040] =	vst v1  }
0x1f4: {  	[tilespmem:s6+$0x1050] =	vst v2  }
0x1f5: {  	s10 =	simm.s32 $0x0;
	[tilespmem:s6+$0x1060] =	vst v3  }
0x1f6: {  	[hbm4b:s16+s10] =	stream.linear.scatter [tilespmem:s31], [sflag:$0x1], $0x8000, $0x38;
	[tilespmem:$0x19000] =	vst v63  }
0x1f7: {  	_ =	swait.ge [sflag:s3], $0x8000  }
0x1f8: {  	[sflag:s3] =	ssyncset.done $0x0  }
0x1f9: {  	[sflag:s3] =	ssyncadd.s32 $0xFFFF8000  }
0x1fa: {  	[tilespmem:s23], [sflag:$0x3] =	stream.linear.gather [hbm4b:s17+s10], $0x8000, $0x38;
	[tilespmem:$0x19000] =	vst v63  }
0x1fb: {  	_ =	swait.ge [sflag:s2], $0x8000  }
0x1fc: {  	s11 =	sand.u32 $0x7C00, s10;
	s5 =	sand.u32 $0x380, s10;
	[sflag:s2] =	ssyncset.done $0x0  }
0x1fd: {  	s5 =	sor.u32 s5, s11;
	[sflag:s2] =	ssyncadd.s32 $0xFFFF8000  }
0x1fe: {  	v0 =	vld [tilespmem:s5+$0x9070]  }
0x1ff: {  	v3 =	vld [tilespmem:s5+$0x9020]  }
0x200: {  	v1 =	vld [tilespmem:s5+$0x9000]  }
0x201: {  	v2 =	vld [tilespmem:s5+$0x9010]  }
0x202: {  	v4 =	vld [tilespmem:s5+$0x9030]  }
0x203: {  	s12 =	simm.s32 $0x400;
	s7 =	simm.s32 $0x4;
	v5 =	vld [tilespmem:s5+$0x9040]  }
0x204: {  	s7 =	sand.u32 $0x380, s7;
	s6 =	sand.u32 $0x7C00, s12;
	v6 =	vld [tilespmem:s5+$0x9050];
	vm15 =	vgt.s32 v3, $0x0  }
0x205: {  	s6 =	sor.u32 s7, s6;
	v7 =	vld [tilespmem:s5+$0x9060];
	v3 =	vnsel vm15, $0x0, v3  }
0x206: {  	v8 =	vld [tilespmem:s6+$0x9000];
	v3 =	vmin.u32 v3, $0xFFF  }
0x207: {  	v9 =	vld [tilespmem:s6+$0x9010]  }
0x208: {  	v11 =	vld [tilespmem:s6+$0x9020];
	vm0 =	vgt.s32 v0, $0x0  }
0x209: {  	v12 =	vld [tilespmem:s6+$0x9030];
	vm1 =	vgt.s32 v1, $0x0;
	v0 =	vnsel vm0, $0x0, v0  }
0x20a: {  	v14 =	vld [tilespmem:s6+$0x9040];
	vm14 =	vgt.s32 v2, $0x0;
	v1 =	vnsel vm1, $0x0, v1;
	v0 =	vmin.u32 v0, $0xFFF  }
0x20b: {  	vm6 =	vgt.s32 v6, $0x0;
	v2 =	vnsel vm14, $0x0, v2;
	v1 =	vmin.u32 v1, $0xFFF;
	v10 =	vld.idx.msk [tilespmem:v3+s1+$0x0], $0xffff  }
0x20c: {  	vm7 =	vgt.s32 v7, $0x0;
	v6 =	vnsel vm6, $0x0, v6;
	v2 =	vmin.u32 v2, $0xFFF;
	v3 =	vld [tilespmem:s6+$0x9070]  }
0x20d: {  	v16 =	vld [tilespmem:s6+$0x9050];
	vm4 =	vgt.s32 v4, $0x0;
	v13 =	vmin.u32 v6, $0xFFF;
	v6 =	vnsel vm7, $0x0, v7  }
0x20e: {  	v17 =	vld [tilespmem:s6+$0x9060];
	vm5 =	vgt.s32 v5, $0x0;
	v4 =	vnsel vm4, $0x0, v4;
	v15 =	vmin.u32 v6, $0xFFF  }
0x20f: {  	v5 =	vnsel vm5, $0x0, v5;
	v4 =	vmin.u32 v4, $0xFFF;
	v0 =	vld.idx.msk [tilespmem:v0+s1+$0x0], $0xffff  }
0x210: {  	vm9 =	vgt.s32 v8, $0x0;
	v5 =	vmin.u32 v5, $0xFFF;
	v1 =	vld.idx.msk [tilespmem:v1+s1+$0x0], $0xffff  }
0x211: {  	v6 =	vnsel vm9, $0x0, v8;
	v2 =	vld.idx.msk [tilespmem:v2+s1+$0x0], $0xffff;
	vm8 =	vgt.s32 v3, $0x0  }
0x212: {  	vm10 =	vgt.s32 v9, $0x0;
	v19 =	vmin.u32 v6, $0xFFF;
	v3 =	vnsel vm8, $0x0, v3  }
0x213: {  	vm11 =	vgt.s32 v11, $0x0;
	v6 =	vnsel vm10, $0x0, v9;
	v8 =	vld.idx.msk [tilespmem:v15+s1+$0x0], $0xffff;
	v18 =	vmin.u32 v3, $0xFFF  }
0x214: {  	v7 =	vnsel vm11, $0x0, v11;
	v6 =	vmin.u32 v6, $0xFFF;
	[tilespmem:s5+$0x9070] =	vst v0;
	v3 =	vld.idx.msk [tilespmem:v4+s1+$0x0], $0xffff  }
0x215: {  	vm12 =	vgt.s32 v12, $0x0;
	vm15 =	vgt.s32 v17, $0x0;
	v7 =	vmin.u32 v7, $0xFFF;
	[tilespmem:s5+$0x9000] =	vst v1;
	v4 =	vld.idx.msk [tilespmem:v5+s1+$0x0], $0xffff  }
0x216: {  	vm13 =	vgt.s32 v14, $0x0;
	vm14 =	vgt.s32 v16, $0x0;
	v11 =	vnsel vm15, $0x0, v17;
	[tilespmem:s5+$0x9010] =	vst v2;
	v5 =	vld.idx.msk [tilespmem:v13+s1+$0x0], $0xffff  }
0x217: {  	v0 =	vnsel vm12, $0x0, v12;
	v1 =	vnsel vm13, $0x0, v14;
	v2 =	vnsel vm14, $0x0, v16;
	[tilespmem:s5+$0x9020] =	vst v10;
	v10 =	vld.idx.msk [tilespmem:v19+s1+$0x0], $0xffff  }
0x218: {  	s8 =	simm.s32 $0x800;
	s9 =	simm.s32 $0x8;
	s7 =	simm.s32 $0x8;
	v0 =	vmin.u32 v0, $0xFFF;
	v1 =	vmin.u32 v1, $0xFFF;
	v2 =	vmin.u32 v2, $0xFFF;
	v9 =	vld.idx.msk [tilespmem:v18+s1+$0x0], $0xffff  }
.LBB2_18:
0x219: {  	s10 =	sand.u32 $0x7C00, s8;
	s11 =	sand.u32 $0x380, s9;
	s7 =	sadd.s32 $0x8, s7;
	v6 =	vld.idx.msk [tilespmem:v6+s1+$0x0], $0xffff;
	v11 =	vmin.u32 v11, $0xFFF;
	[tilespmem:s5+$0x9030] =	vst v3  }
0x21a: {  	s10 =	sor.u32 s11, s10;
	p0 =	slt.u32 s7, $0x7F8;
	v3 =	vld.idx.msk [tilespmem:v7+s1+$0x0], $0xffff;
	[tilespmem:s5+$0x9040] =	vst v4  }
0x21b: {  	v4 =	vld [tilespmem:s10+$0x9070];
	[tilespmem:s5+$0x9050] =	vst v5  }
0x21c: {  	v5 =	vld [tilespmem:s10+$0x9000];
	[tilespmem:s5+$0x9060] =	vst v8;
	s5 =	smov.u32 s6;
	s6 =	smov.u32 s10  }
0x21d: {  	v7 =	vld [tilespmem:s6+$0x9010];
	[tilespmem:s5+$0x9070] =	vst v9  }
0x21e: {  	v8 =	vld [tilespmem:s6+$0x9020];
	[tilespmem:s5+$0x9000] =	vst v10  }
0x21f: {  	v9 =	vld [tilespmem:s6+$0x9030];
	[tilespmem:s5+$0x9010] =	vst v6  }
0x220: {  	v10 =	vld [tilespmem:s6+$0x9040];
	vm0 =	vgt.s32 v4, $0x0;
	[tilespmem:s5+$0x9020] =	vst v3  }
0x221: {  	vm1 =	vgt.s32 v5, $0x0;
	v12 =	vld [tilespmem:s6+$0x9050];
	v3 =	vnsel vm0, $0x0, v4  }
0x222: {  	v4 =	vnsel vm1, $0x0, v5;
	vm0 =	vgt.s32 v7, $0x0;
	v13 =	vld [tilespmem:s6+$0x9060];
	v14 =	vmin.u32 v3, $0xFFF  }
0x223: {  	v15 =	vmin.u32 v4, $0xFFF;
	v4 =	vnsel vm0, $0x0, v7;
	vm0 =	vgt.s32 v8, $0x0;
	v3 =	vld.idx.msk [tilespmem:v0+s1+$0x0], $0xffff  }
.Ltmp8:
0x224: {  	v6 =	vmin.u32 v4, $0xFFF;
	v0 =	vnsel vm0, $0x0, v8;
	vm0 =	vgt.s32 v9, $0x0;
	v4 =	vld.idx.msk [tilespmem:v1+s1+$0x0], $0xffff;
	(pc) =	sbr.rel @p0 .LBB2_18-.Ltmp8, $4  }
0x225: {  	v7 =	vmin.u32 v0, $0xFFF;
	v0 =	vnsel vm0, $0x0, v9;
	vm0 =	vgt.s32 v10, $0x0;
	v5 =	vld.idx.msk [tilespmem:v2+s1+$0x0], $0xffff  }
0x226: {  	v0 =	vmin.u32 v0, $0xFFF;
	v1 =	vnsel vm0, $0x0, v10;
	vm0 =	vgt.s32 v12, $0x0;
	v8 =	vld.idx.msk [tilespmem:v11+s1+$0x0], $0xffff  }
0x227: {  	v1 =	vmin.u32 v1, $0xFFF;
	v2 =	vnsel vm0, $0x0, v12;
	vm0 =	vgt.s32 v13, $0x0;
	v9 =	vld.idx.msk [tilespmem:v14+s1+$0x0], $0xffff  }
0x228: {  	s8 =	sadd.s32 $0x400, s8;
	s9 =	sadd.s32 $0x4, s9;
	v10 =	vld.idx.msk [tilespmem:v15+s1+$0x0], $0xffff;
	v2 =	vmin.u32 v2, $0xFFF;
	v11 =	vnsel vm0, $0x0, v13  }
0x229: {  	_ =	sdelay $0x2  }
0x22a: {  	[tilespmem:s5+$0x9030] =	vst v3  }
0x22b: {  	v3 =	vld.idx.msk [tilespmem:v6+s1+$0x0], $0xffff;
	v6 =	vmin.u32 v11, $0xFFF;
	[tilespmem:s5+$0x9040] =	vst v4  }
0x22c: {  	v4 =	vld.idx.msk [tilespmem:v7+s1+$0x0], $0xffff;
	[tilespmem:s5+$0x9050] =	vst v5  }
0x22d: {  	v0 =	vld.idx.msk [tilespmem:v0+s1+$0x0], $0xffff;
	[tilespmem:s5+$0x9060] =	vst v8  }
0x22e: {  	v1 =	vld.idx.msk [tilespmem:v1+s1+$0x0], $0xffff;
	[tilespmem:s6+$0x9070] =	vst v9  }
0x22f: {  	v2 =	vld.idx.msk [tilespmem:v2+s1+$0x0], $0xffff;
	[tilespmem:s6+$0x9000] =	vst v10  }
0x230: {  	[tilespmem:s6+$0x9010] =	vst v3;
	v3 =	vld.idx.msk [tilespmem:v6+s1+$0x0], $0xffff  }
0x231: {  	[tilespmem:s6+$0x9020] =	vst v4  }
0x232: {  	[tilespmem:s6+$0x9030] =	vst v0  }
0x233: {  	[tilespmem:s6+$0x9040] =	vst v1  }
0x234: {  	[tilespmem:s6+$0x9050] =	vst v2  }
0x235: {  	s10 =	simm.s32 $0x0;
	[tilespmem:s6+$0x9060] =	vst v3  }
0x236: {  	[hbm4b:s18+s10] =	stream.linear.scatter [tilespmem:s21], [sflag:$0x2], $0x8000, $0x38;
	[tilespmem:$0x19000] =	vst v63  }
0x237: {  	_ =	swait.ge [sflag:s0], $0x8000  }
0x238: {  	[sflag:s0] =	ssyncset.done $0x0  }
0x239: {  	[sflag:s0] =	ssyncadd.s32 $0xFFFF8000  }
0x23a: {  	[tilespmem:s31], [sflag:$0x1] =	stream.linear.gather [hbm4b:s19+s10], $0x8000, $0x38;
	[tilespmem:$0x19000] =	vst v63  }
0x23b: {  	s11 =	sand.u32 $0x7C00, s10;
	s5 =	sand.u32 $0x380, s10;
	_ =	swait.ge [sflag:s3], $0x8000  }
0x23c: {  	s8 =	sor.u32 s5, s11;
	[sflag:s3] =	ssyncset.done $0x0  }
0x23d: {  	s5 =	sadd.s32 $0x11000, s8;
	[sflag:s3] =	ssyncadd.s32 $0xFFFF8000  }
0x23e: {  	v3 =	vld [tilespmem:s5+$0x20];
	_ =	sdelay $0x1  }
0x23f: {  	v0 =	vld [tilespmem:s8+$0x11000]  }
0x240: {  	v1 =	vld [tilespmem:s5+$0x70]  }
0x241: {  	v2 =	vld [tilespmem:s5+$0x10]  }
0x242: {  	s12 =	simm.s32 $0x400;
	s7 =	simm.s32 $0x4;
	v4 =	vld [tilespmem:s5+$0x30];
	vm15 =	vgt.s32 v3, $0x0  }
0x243: {  	s7 =	sand.u32 $0x380, s7;
	s6 =	sand.u32 $0x7C00, s12;
	v5 =	vld [tilespmem:s5+$0x40];
	v3 =	vnsel vm15, $0x0, v3  }
0x244: {  	s7 =	sor.u32 s7, s6;
	v6 =	vld [tilespmem:s5+$0x50];
	v3 =	vmin.u32 v3, $0xFFF  }
0x245: {  	s6 =	sadd.s32 $0x11000, s7;
	v7 =	vld [tilespmem:s5+$0x60]  }
0x246: {  	v8 =	vld [tilespmem:s6+$0x70]  }
0x247: {  	v9 =	vld [tilespmem:s6+$0x10]  }
0x248: {  	v11 =	vld [tilespmem:s6+$0x20];
	vm0 =	vgt.s32 v0, $0x0;
	vm14 =	vgt.s32 v1, $0x0;
	vm1 =	vgt.s32 v2, $0x0  }
0x249: {  	vm4 =	vgt.s32 v4, $0x0;
	vm6 =	vgt.s32 v6, $0x0;
	v0 =	vnsel vm0, $0x0, v0;
	v10 =	vld.idx.msk [tilespmem:v3+s1+$0x0], $0xffff  }
0x24a: {  	vm7 =	vgt.s32 v7, $0x0;
	v1 =	vnsel vm14, $0x0, v1;
	v0 =	vmin.u32 v0, $0xFFF;
	v3 =	vld [tilespmem:s7+$0x11000]  }
0x24b: {  	v12 =	vld [tilespmem:s6+$0x30];
	v2 =	vnsel vm1, $0x0, v2;
	v6 =	vnsel vm6, $0x0, v6;
	v1 =	vmin.u32 v1, $0xFFF  }
0x24c: {  	v15 =	vld [tilespmem:s6+$0x50];
	v2 =	vmin.u32 v2, $0xFFF;
	v13 =	vmin.u32 v6, $0xFFF;
	v6 =	vnsel vm7, $0x0, v7  }
0x24d: {  	v17 =	vld [tilespmem:s6+$0x60];
	vm5 =	vgt.s32 v5, $0x0;
	v4 =	vnsel vm4, $0x0, v4;
	v14 =	vmin.u32 v6, $0xFFF  }
0x24e: {  	v5 =	vnsel vm5, $0x0, v5;
	v4 =	vmin.u32 v4, $0xFFF;
	v7 =	vld [tilespmem:s6+$0x40]  }
0x24f: {  	v5 =	vmin.u32 v5, $0xFFF;
	v0 =	vld.idx.msk [tilespmem:v0+s1+$0x0], $0xffff;
	vm8 =	vgt.s32 v3, $0x0  }
0x250: {  	vm9 =	vgt.s32 v8, $0x0;
	v1 =	vld.idx.msk [tilespmem:v1+s1+$0x0], $0xffff;
	v3 =	vnsel vm8, $0x0, v3  }
0x251: {  	vm10 =	vgt.s32 v9, $0x0;
	v2 =	vld.idx.msk [tilespmem:v2+s1+$0x0], $0xffff;
	v16 =	vmin.u32 v3, $0xFFF;
	v3 =	vnsel vm9, $0x0, v8  }
0x252: {  	vm11 =	vgt.s32 v11, $0x0;
	v6 =	vnsel vm10, $0x0, v9;
	v9 =	vld.idx.msk [tilespmem:v14+s1+$0x0], $0xffff;
	v18 =	vmin.u32 v3, $0xFFF  }
0x253: {  	v6 =	vmin.u32 v6, $0xFFF;
	v8 =	vnsel vm11, $0x0, v11;
	v3 =	vld.idx.msk [tilespmem:v4+s1+$0x0], $0xffff  }
0x254: {  	vm12 =	vgt.s32 v12, $0x0;
	vm14 =	vgt.s32 v15, $0x0;
	[tilespmem:s8+$0x11000] =	vst v0;
	v4 =	vld.idx.msk [tilespmem:v5+s1+$0x0], $0xffff;
	v8 =	vmin.u32 v8, $0xFFF  }
0x255: {  	vm15 =	vgt.s32 v17, $0x0;
	vm13 =	vgt.s32 v7, $0x0;
	v0 =	vnsel vm12, $0x0, v12;
	[tilespmem:s5+$0x70] =	vst v1;
	v5 =	vld.idx.msk [tilespmem:v13+s1+$0x0], $0xffff  }
0x256: {  	v1 =	vnsel vm13, $0x0, v7;
	[tilespmem:s5+$0x10] =	vst v2;
	v0 =	vmin.u32 v0, $0xFFF;
	v11 =	vnsel vm14, $0x0, v15;
	v7 =	vld.idx.msk [tilespmem:v16+s1+$0x0], $0xffff  }
0x257: {  	s9 =	simm.s32 $0x800;
	s10 =	simm.s32 $0x8;
	[tilespmem:s5+$0x20] =	vst v10;
	s8 =	simm.s32 $0x8;
	v2 =	vmin.u32 v1, $0xFFF;
	v1 =	vmin.u32 v11, $0xFFF;
	v11 =	vnsel vm15, $0x0, v17;
	v10 =	vld.idx.msk [tilespmem:v18+s1+$0x0], $0xffff  }
.LBB2_20:
0x258: {  	s11 =	sand.u32 $0x7C00, s9;
	s12 =	sand.u32 $0x380, s10;
	s8 =	sadd.s32 $0x8, s8;
	v6 =	vld.idx.msk [tilespmem:v6+s1+$0x0], $0xffff;
	v11 =	vmin.u32 v11, $0xFFF;
	[tilespmem:s5+$0x30] =	vst v3  }
0x259: {  	s11 =	sor.u32 s12, s11;
	p0 =	slt.u32 s8, $0x7F8;
	v3 =	vld.idx.msk [tilespmem:v8+s1+$0x0], $0xffff;
	[tilespmem:s5+$0x40] =	vst v4  }
0x25a: {  	s12 =	sadd.s32 $0x11000, s11;
	v4 =	vld [tilespmem:s11+$0x11000];
	[tilespmem:s5+$0x50] =	vst v5  }
0x25b: {  	v5 =	vld [tilespmem:s12+$0x70];
	[tilespmem:s5+$0x60] =	vst v9;
	s5 =	smov.u32 s6;
	s6 =	smov.u32 s12  }
0x25c: {  	v8 =	vld [tilespmem:s6+$0x10];
	[tilespmem:s7+$0x11000] =	vst v7;
	s7 =	smov.u32 s11  }
0x25d: {  	v7 =	vld [tilespmem:s6+$0x20];
	[tilespmem:s5+$0x70] =	vst v10  }
0x25e: {  	v9 =	vld [tilespmem:s6+$0x30];
	[tilespmem:s5+$0x10] =	vst v6  }
0x25f: {  	vm0 =	vgt.s32 v4, $0x0;
	v10 =	vld [tilespmem:s6+$0x40];
	[tilespmem:s5+$0x20] =	vst v3  }
0x260: {  	v3 =	vnsel vm0, $0x0, v4;
	v12 =	vld [tilespmem:s6+$0x50];
	vm0 =	vgt.s32 v5, $0x0  }
0x261: {  	v13 =	vmin.u32 v3, $0xFFF;
	vm1 =	vgt.s32 v8, $0x0;
	v14 =	vld [tilespmem:s6+$0x60];
	v3 =	vnsel vm0, $0x0, v5  }
0x262: {  	v4 =	vnsel vm1, $0x0, v8;
	vm0 =	vgt.s32 v7, $0x0;
	v15 =	vmin.u32 v3, $0xFFF;
	v3 =	vld.idx.msk [tilespmem:v0+s1+$0x0], $0xffff  }
.Ltmp9:
0x263: {  	v6 =	vmin.u32 v4, $0xFFF;
	v0 =	vnsel vm0, $0x0, v7;
	vm0 =	vgt.s32 v9, $0x0;
	v4 =	vld.idx.msk [tilespmem:v2+s1+$0x0], $0xffff;
	(pc) =	sbr.rel @p0 .LBB2_20-.Ltmp9, $4  }
0x264: {  	v8 =	vmin.u32 v0, $0xFFF;
	v0 =	vnsel vm0, $0x0, v9;
	vm0 =	vgt.s32 v10, $0x0;
	v5 =	vld.idx.msk [tilespmem:v1+s1+$0x0], $0xffff  }
0x265: {  	v0 =	vmin.u32 v0, $0xFFF;
	v1 =	vnsel vm0, $0x0, v10;
	vm0 =	vgt.s32 v12, $0x0;
	v9 =	vld.idx.msk [tilespmem:v11+s1+$0x0], $0xffff  }
0x266: {  	v7 =	vld.idx.msk [tilespmem:v13+s1+$0x0], $0xffff;
	v2 =	vmin.u32 v1, $0xFFF;
	v1 =	vnsel vm0, $0x0, v12;
	vm0 =	vgt.s32 v14, $0x0  }
0x267: {  	s9 =	sadd.s32 $0x400, s9;
	s10 =	sadd.s32 $0x4, s10;
	v1 =	vmin.u32 v1, $0xFFF;
	v11 =	vnsel vm0, $0x0, v14;
	v10 =	vld.idx.msk [tilespmem:v15+s1+$0x0], $0xffff  }
0x268: {  	_ =	sdelay $0x2  }
0x269: {  	[tilespmem:s5+$0x30] =	vst v3  }
0x26a: {  	v3 =	vld.idx.msk [tilespmem:v6+s1+$0x0], $0xffff;
	v6 =	vmin.u32 v11, $0xFFF;
	[tilespmem:s5+$0x40] =	vst v4  }
0x26b: {  	v4 =	vld.idx.msk [tilespmem:v8+s1+$0x0], $0xffff;
	[tilespmem:s5+$0x50] =	vst v5  }
0x26c: {  	v0 =	vld.idx.msk [tilespmem:v0+s1+$0x0], $0xffff;
	[tilespmem:s5+$0x60] =	vst v9  }
0x26d: {  	v2 =	vld.idx.msk [tilespmem:v2+s1+$0x0], $0xffff;
	[tilespmem:s7+$0x11000] =	vst v7  }
0x26e: {  	v1 =	vld.idx.msk [tilespmem:v1+s1+$0x0], $0xffff;
	[tilespmem:s6+$0x70] =	vst v10  }
0x26f: {  	[tilespmem:s6+$0x10] =	vst v3;
	v3 =	vld.idx.msk [tilespmem:v6+s1+$0x0], $0xffff  }
0x270: {  	[tilespmem:s6+$0x20] =	vst v4  }
0x271: {  	[tilespmem:s6+$0x30] =	vst v0  }
0x272: {  	[tilespmem:s6+$0x40] =	vst v2  }
0x273: {  	[tilespmem:s6+$0x50] =	vst v1  }
0x274: {  	s9 =	simm.s32 $0x0;
	[tilespmem:s6+$0x60] =	vst v3  }
0x275: {  	[hbm4b:s20+s9] =	stream.linear.scatter [tilespmem:s23], [sflag:$0x3], $0x8000, $0x38;
	[tilespmem:$0x19000] =	vst v63  }
0x276: {  	_ =	swait.ge [sflag:s2], $0x8000  }
0x277: {  	[sflag:s2] =	ssyncset.done $0x0  }
0x278: {  	[sflag:s2] =	ssyncadd.s32 $0xFFFF8000  }
0x279: {  	[tilespmem:s21], [sflag:$0x2] =	stream.linear.gather [hbm4b:s24+s9], $0x8000, $0x38;
	[tilespmem:$0x19000] =	vst v63  }
0x27a: {  	_ =	swait.ge [sflag:s0], $0x8000  }
0x27b: {  	s10 =	sand.u32 $0x7C00, s9;
	s5 =	sand.u32 $0x380, s9;
	[sflag:s0] =	ssyncset.done $0x0  }
0x27c: {  	s5 =	sor.u32 s5, s10;
	[sflag:s0] =	ssyncadd.s32 $0xFFFF8000  }
0x27d: {  	v0 =	vld [tilespmem:s5+$0x1070]  }
0x27e: {  	v3 =	vld [tilespmem:s5+$0x1020]  }
0x27f: {  	v1 =	vld [tilespmem:s5+$0x1000]  }
0x280: {  	v2 =	vld [tilespmem:s5+$0x1010]  }
0x281: {  	v4 =	vld [tilespmem:s5+$0x1030]  }
0x282: {  	s11 =	simm.s32 $0x400;
	s12 =	simm.s32 $0x4;
	v5 =	vld [tilespmem:s5+$0x1040]  }
0x283: {  	s7 =	sand.u32 $0x380, s12;
	s6 =	sand.u32 $0x7C00, s11;
	v6 =	vld [tilespmem:s5+$0x1050];
	vm15 =	vgt.s32 v3, $0x0  }
0x284: {  	s6 =	sor.u32 s7, s6;
	v7 =	vld [tilespmem:s5+$0x1060];
	v3 =	vnsel vm15, $0x0, v3  }
0x285: {  	v8 =	vld [tilespmem:s6+$0x1000];
	v3 =	vmin.u32 v3, $0xFFF  }
0x286: {  	v9 =	vld [tilespmem:s6+$0x1010]  }
0x287: {  	v11 =	vld [tilespmem:s6+$0x1020];
	vm0 =	vgt.s32 v0, $0x0  }
0x288: {  	v12 =	vld [tilespmem:s6+$0x1030];
	vm1 =	vgt.s32 v1, $0x0;
	v0 =	vnsel vm0, $0x0, v0  }
0x289: {  	v14 =	vld [tilespmem:s6+$0x1040];
	vm14 =	vgt.s32 v2, $0x0;
	v1 =	vnsel vm1, $0x0, v1;
	v0 =	vmin.u32 v0, $0xFFF  }
0x28a: {  	vm6 =	vgt.s32 v6, $0x0;
	v2 =	vnsel vm14, $0x0, v2;
	v1 =	vmin.u32 v1, $0xFFF;
	v10 =	vld.idx.msk [tilespmem:v3+s1+$0x0], $0xffff  }
0x28b: {  	vm7 =	vgt.s32 v7, $0x0;
	v6 =	vnsel vm6, $0x0, v6;
	v2 =	vmin.u32 v2, $0xFFF;
	v3 =	vld [tilespmem:s6+$0x1070]  }
0x28c: {  	v16 =	vld [tilespmem:s6+$0x1050];
	vm4 =	vgt.s32 v4, $0x0;
	v13 =	vmin.u32 v6, $0xFFF;
	v6 =	vnsel vm7, $0x0, v7  }
0x28d: {  	v17 =	vld [tilespmem:s6+$0x1060];
	vm5 =	vgt.s32 v5, $0x0;
	v4 =	vnsel vm4, $0x0, v4;
	v15 =	vmin.u32 v6, $0xFFF  }
0x28e: {  	v5 =	vnsel vm5, $0x0, v5;
	v4 =	vmin.u32 v4, $0xFFF;
	v0 =	vld.idx.msk [tilespmem:v0+s1+$0x0], $0xffff  }
0x28f: {  	vm9 =	vgt.s32 v8, $0x0;
	v5 =	vmin.u32 v5, $0xFFF;
	v1 =	vld.idx.msk [tilespmem:v1+s1+$0x0], $0xffff  }
0x290: {  	v6 =	vnsel vm9, $0x0, v8;
	v2 =	vld.idx.msk [tilespmem:v2+s1+$0x0], $0xffff;
	vm8 =	vgt.s32 v3, $0x0  }
0x291: {  	vm10 =	vgt.s32 v9, $0x0;
	v19 =	vmin.u32 v6, $0xFFF;
	v3 =	vnsel vm8, $0x0, v3  }
0x292: {  	vm11 =	vgt.s32 v11, $0x0;
	v6 =	vnsel vm10, $0x0, v9;
	v8 =	vld.idx.msk [tilespmem:v15+s1+$0x0], $0xffff;
	v18 =	vmin.u32 v3, $0xFFF  }
0x293: {  	v7 =	vnsel vm11, $0x0, v11;
	v6 =	vmin.u32 v6, $0xFFF;
	[tilespmem:s5+$0x1070] =	vst v0;
	v3 =	vld.idx.msk [tilespmem:v4+s1+$0x0], $0xffff  }
0x294: {  	vm12 =	vgt.s32 v12, $0x0;
	vm15 =	vgt.s32 v17, $0x0;
	v7 =	vmin.u32 v7, $0xFFF;
	[tilespmem:s5+$0x1000] =	vst v1;
	v4 =	vld.idx.msk [tilespmem:v5+s1+$0x0], $0xffff  }
0x295: {  	vm13 =	vgt.s32 v14, $0x0;
	vm14 =	vgt.s32 v16, $0x0;
	v11 =	vnsel vm15, $0x0, v17;
	[tilespmem:s5+$0x1010] =	vst v2;
	v5 =	vld.idx.msk [tilespmem:v13+s1+$0x0], $0xffff  }
0x296: {  	v0 =	vnsel vm12, $0x0, v12;
	v1 =	vnsel vm13, $0x0, v14;
	v2 =	vnsel vm14, $0x0, v16;
	[tilespmem:s5+$0x1020] =	vst v10;
	v10 =	vld.idx.msk [tilespmem:v19+s1+$0x0], $0xffff  }
0x297: {  	s8 =	simm.s32 $0x800;
	s7 =	simm.s32 $0x8;
	s9 =	simm.s32 $0x8;
	v0 =	vmin.u32 v0, $0xFFF;
	v1 =	vmin.u32 v1, $0xFFF;
	v2 =	vmin.u32 v2, $0xFFF;
	v9 =	vld.idx.msk [tilespmem:v18+s1+$0x0], $0xffff  }
.LBB2_22:
0x298: {  	s10 =	sand.u32 $0x7C00, s8;
	s11 =	sand.u32 $0x380, s9;
	s7 =	sadd.s32 $0x8, s7;
	v6 =	vld.idx.msk [tilespmem:v6+s1+$0x0], $0xffff;
	v11 =	vmin.u32 v11, $0xFFF;
	[tilespmem:s5+$0x1030] =	vst v3  }
0x299: {  	s10 =	sor.u32 s11, s10;
	p0 =	slt.u32 s7, $0x7F8;
	v3 =	vld.idx.msk [tilespmem:v7+s1+$0x0], $0xffff;
	[tilespmem:s5+$0x1040] =	vst v4  }
0x29a: {  	v4 =	vld [tilespmem:s10+$0x1070];
	[tilespmem:s5+$0x1050] =	vst v5  }
0x29b: {  	v5 =	vld [tilespmem:s10+$0x1000];
	[tilespmem:s5+$0x1060] =	vst v8;
	s5 =	smov.u32 s6;
	s6 =	smov.u32 s10  }
0x29c: {  	v7 =	vld [tilespmem:s6+$0x1010];
	[tilespmem:s5+$0x1070] =	vst v9  }
0x29d: {  	v8 =	vld [tilespmem:s6+$0x1020];
	[tilespmem:s5+$0x1000] =	vst v10  }
0x29e: {  	v9 =	vld [tilespmem:s6+$0x1030];
	[tilespmem:s5+$0x1010] =	vst v6  }
0x29f: {  	v10 =	vld [tilespmem:s6+$0x1040];
	vm0 =	vgt.s32 v4, $0x0;
	[tilespmem:s5+$0x1020] =	vst v3  }
0x2a0: {  	vm1 =	vgt.s32 v5, $0x0;
	v12 =	vld [tilespmem:s6+$0x1050];
	v3 =	vnsel vm0, $0x0, v4  }
0x2a1: {  	v4 =	vnsel vm1, $0x0, v5;
	vm0 =	vgt.s32 v7, $0x0;
	v13 =	vld [tilespmem:s6+$0x1060];
	v14 =	vmin.u32 v3, $0xFFF  }
0x2a2: {  	v15 =	vmin.u32 v4, $0xFFF;
	v4 =	vnsel vm0, $0x0, v7;
	vm0 =	vgt.s32 v8, $0x0;
	v3 =	vld.idx.msk [tilespmem:v0+s1+$0x0], $0xffff  }
.Ltmp10:
0x2a3: {  	v6 =	vmin.u32 v4, $0xFFF;
	v0 =	vnsel vm0, $0x0, v8;
	vm0 =	vgt.s32 v9, $0x0;
	v4 =	vld.idx.msk [tilespmem:v1+s1+$0x0], $0xffff;
	(pc) =	sbr.rel @p0 .LBB2_22-.Ltmp10, $4  }
0x2a4: {  	v7 =	vmin.u32 v0, $0xFFF;
	v0 =	vnsel vm0, $0x0, v9;
	vm0 =	vgt.s32 v10, $0x0;
	v5 =	vld.idx.msk [tilespmem:v2+s1+$0x0], $0xffff  }
0x2a5: {  	v0 =	vmin.u32 v0, $0xFFF;
	v1 =	vnsel vm0, $0x0, v10;
	vm0 =	vgt.s32 v12, $0x0;
	v8 =	vld.idx.msk [tilespmem:v11+s1+$0x0], $0xffff  }
0x2a6: {  	v1 =	vmin.u32 v1, $0xFFF;
	v2 =	vnsel vm0, $0x0, v12;
	vm0 =	vgt.s32 v13, $0x0;
	v9 =	vld.idx.msk [tilespmem:v14+s1+$0x0], $0xffff  }
0x2a7: {  	s8 =	sadd.s32 $0x400, s8;
	s9 =	sadd.s32 $0x4, s9;
	v10 =	vld.idx.msk [tilespmem:v15+s1+$0x0], $0xffff;
	v2 =	vmin.u32 v2, $0xFFF;
	v11 =	vnsel vm0, $0x0, v13  }
0x2a8: {  	_ =	sdelay $0x2  }
0x2a9: {  	[tilespmem:s5+$0x1030] =	vst v3  }
0x2aa: {  	v3 =	vld.idx.msk [tilespmem:v6+s1+$0x0], $0xffff;
	v6 =	vmin.u32 v11, $0xFFF;
	[tilespmem:s5+$0x1040] =	vst v4  }
0x2ab: {  	v4 =	vld.idx.msk [tilespmem:v7+s1+$0x0], $0xffff;
	[tilespmem:s5+$0x1050] =	vst v5  }
0x2ac: {  	v0 =	vld.idx.msk [tilespmem:v0+s1+$0x0], $0xffff;
	[tilespmem:s5+$0x1060] =	vst v8  }
0x2ad: {  	v1 =	vld.idx.msk [tilespmem:v1+s1+$0x0], $0xffff;
	[tilespmem:s6+$0x1070] =	vst v9  }
0x2ae: {  	v2 =	vld.idx.msk [tilespmem:v2+s1+$0x0], $0xffff;
	[tilespmem:s6+$0x1000] =	vst v10  }
0x2af: {  	[tilespmem:s6+$0x1010] =	vst v3;
	v3 =	vld.idx.msk [tilespmem:v6+s1+$0x0], $0xffff  }
0x2b0: {  	[tilespmem:s6+$0x1020] =	vst v4  }
0x2b1: {  	[tilespmem:s6+$0x1030] =	vst v0  }
0x2b2: {  	[tilespmem:s6+$0x1040] =	vst v1  }
0x2b3: {  	[tilespmem:s6+$0x1050] =	vst v2  }
0x2b4: {  	s10 =	simm.s32 $0x0;
	[tilespmem:s6+$0x1060] =	vst v3  }
0x2b5: {  	[hbm4b:s22+s10] =	stream.linear.scatter [tilespmem:s31], [sflag:$0x1], $0x8000, $0x38;
	[tilespmem:$0x19000] =	vst v63  }
0x2b6: {  	_ =	swait.ge [sflag:s3], $0x8000  }
0x2b7: {  	[sflag:s3] =	ssyncset.done $0x0  }
0x2b8: {  	[sflag:s3] =	ssyncadd.s32 $0xFFFF8000  }
0x2b9: {  	[tilespmem:s23], [sflag:$0x3] =	stream.linear.gather [hbm4b:s25+s10], $0x8000, $0x38;
	[tilespmem:$0x19000] =	vst v63  }
0x2ba: {  	_ =	swait.ge [sflag:s2], $0x8000  }
0x2bb: {  	s11 =	sand.u32 $0x7C00, s10;
	s5 =	sand.u32 $0x380, s10;
	[sflag:s2] =	ssyncset.done $0x0  }
0x2bc: {  	s5 =	sor.u32 s5, s11;
	[sflag:s2] =	ssyncadd.s32 $0xFFFF8000  }
0x2bd: {  	v0 =	vld [tilespmem:s5+$0x9070]  }
0x2be: {  	v3 =	vld [tilespmem:s5+$0x9020]  }
0x2bf: {  	v1 =	vld [tilespmem:s5+$0x9000]  }
0x2c0: {  	v2 =	vld [tilespmem:s5+$0x9010]  }
0x2c1: {  	v4 =	vld [tilespmem:s5+$0x9030]  }
0x2c2: {  	s12 =	simm.s32 $0x400;
	s7 =	simm.s32 $0x4;
	v5 =	vld [tilespmem:s5+$0x9040]  }
0x2c3: {  	s7 =	sand.u32 $0x380, s7;
	s6 =	sand.u32 $0x7C00, s12;
	v6 =	vld [tilespmem:s5+$0x9050];
	vm15 =	vgt.s32 v3, $0x0  }
0x2c4: {  	s6 =	sor.u32 s7, s6;
	v7 =	vld [tilespmem:s5+$0x9060];
	v3 =	vnsel vm15, $0x0, v3  }
0x2c5: {  	v8 =	vld [tilespmem:s6+$0x9000];
	v3 =	vmin.u32 v3, $0xFFF  }
0x2c6: {  	v9 =	vld [tilespmem:s6+$0x9010]  }
0x2c7: {  	v11 =	vld [tilespmem:s6+$0x9020];
	vm0 =	vgt.s32 v0, $0x0  }
0x2c8: {  	v12 =	vld [tilespmem:s6+$0x9030];
	vm1 =	vgt.s32 v1, $0x0;
	v0 =	vnsel vm0, $0x0, v0  }
0x2c9: {  	v14 =	vld [tilespmem:s6+$0x9040];
	vm14 =	vgt.s32 v2, $0x0;
	v1 =	vnsel vm1, $0x0, v1;
	v0 =	vmin.u32 v0, $0xFFF  }
0x2ca: {  	vm6 =	vgt.s32 v6, $0x0;
	v2 =	vnsel vm14, $0x0, v2;
	v1 =	vmin.u32 v1, $0xFFF;
	v10 =	vld.idx.msk [tilespmem:v3+s1+$0x0], $0xffff  }
0x2cb: {  	vm7 =	vgt.s32 v7, $0x0;
	v6 =	vnsel vm6, $0x0, v6;
	v2 =	vmin.u32 v2, $0xFFF;
	v3 =	vld [tilespmem:s6+$0x9070]  }
0x2cc: {  	v16 =	vld [tilespmem:s6+$0x9050];
	vm4 =	vgt.s32 v4, $0x0;
	v13 =	vmin.u32 v6, $0xFFF;
	v6 =	vnsel vm7, $0x0, v7  }
0x2cd: {  	v17 =	vld [tilespmem:s6+$0x9060];
	vm5 =	vgt.s32 v5, $0x0;
	v4 =	vnsel vm4, $0x0, v4;
	v15 =	vmin.u32 v6, $0xFFF  }
0x2ce: {  	v5 =	vnsel vm5, $0x0, v5;
	v4 =	vmin.u32 v4, $0xFFF;
	v0 =	vld.idx.msk [tilespmem:v0+s1+$0x0], $0xffff  }
0x2cf: {  	vm9 =	vgt.s32 v8, $0x0;
	v5 =	vmin.u32 v5, $0xFFF;
	v1 =	vld.idx.msk [tilespmem:v1+s1+$0x0], $0xffff  }
0x2d0: {  	v6 =	vnsel vm9, $0x0, v8;
	v2 =	vld.idx.msk [tilespmem:v2+s1+$0x0], $0xffff;
	vm8 =	vgt.s32 v3, $0x0  }
0x2d1: {  	vm10 =	vgt.s32 v9, $0x0;
	v19 =	vmin.u32 v6, $0xFFF;
	v3 =	vnsel vm8, $0x0, v3  }
0x2d2: {  	vm11 =	vgt.s32 v11, $0x0;
	v6 =	vnsel vm10, $0x0, v9;
	v8 =	vld.idx.msk [tilespmem:v15+s1+$0x0], $0xffff;
	v18 =	vmin.u32 v3, $0xFFF  }
0x2d3: {  	v7 =	vnsel vm11, $0x0, v11;
	v6 =	vmin.u32 v6, $0xFFF;
	[tilespmem:s5+$0x9070] =	vst v0;
	v3 =	vld.idx.msk [tilespmem:v4+s1+$0x0], $0xffff  }
0x2d4: {  	vm12 =	vgt.s32 v12, $0x0;
	vm15 =	vgt.s32 v17, $0x0;
	v7 =	vmin.u32 v7, $0xFFF;
	[tilespmem:s5+$0x9000] =	vst v1;
	v4 =	vld.idx.msk [tilespmem:v5+s1+$0x0], $0xffff  }
0x2d5: {  	vm13 =	vgt.s32 v14, $0x0;
	vm14 =	vgt.s32 v16, $0x0;
	v11 =	vnsel vm15, $0x0, v17;
	[tilespmem:s5+$0x9010] =	vst v2;
	v5 =	vld.idx.msk [tilespmem:v13+s1+$0x0], $0xffff  }
0x2d6: {  	v0 =	vnsel vm12, $0x0, v12;
	v1 =	vnsel vm13, $0x0, v14;
	v2 =	vnsel vm14, $0x0, v16;
	[tilespmem:s5+$0x9020] =	vst v10;
	v10 =	vld.idx.msk [tilespmem:v19+s1+$0x0], $0xffff  }
0x2d7: {  	s8 =	simm.s32 $0x800;
	s9 =	simm.s32 $0x8;
	s7 =	simm.s32 $0x8;
	v0 =	vmin.u32 v0, $0xFFF;
	v1 =	vmin.u32 v1, $0xFFF;
	v2 =	vmin.u32 v2, $0xFFF;
	v9 =	vld.idx.msk [tilespmem:v18+s1+$0x0], $0xffff  }
.LBB2_24:
0x2d8: {  	s10 =	sand.u32 $0x7C00, s8;
	s11 =	sand.u32 $0x380, s9;
	s7 =	sadd.s32 $0x8, s7;
	v6 =	vld.idx.msk [tilespmem:v6+s1+$0x0], $0xffff;
	v11 =	vmin.u32 v11, $0xFFF;
	[tilespmem:s5+$0x9030] =	vst v3  }
0x2d9: {  	s10 =	sor.u32 s11, s10;
	p0 =	slt.u32 s7, $0x7F8;
	v3 =	vld.idx.msk [tilespmem:v7+s1+$0x0], $0xffff;
	[tilespmem:s5+$0x9040] =	vst v4  }
0x2da: {  	v4 =	vld [tilespmem:s10+$0x9070];
	[tilespmem:s5+$0x9050] =	vst v5  }
0x2db: {  	v5 =	vld [tilespmem:s10+$0x9000];
	[tilespmem:s5+$0x9060] =	vst v8;
	s5 =	smov.u32 s6;
	s6 =	smov.u32 s10  }
0x2dc: {  	v7 =	vld [tilespmem:s6+$0x9010];
	[tilespmem:s5+$0x9070] =	vst v9  }
0x2dd: {  	v8 =	vld [tilespmem:s6+$0x9020];
	[tilespmem:s5+$0x9000] =	vst v10  }
0x2de: {  	v9 =	vld [tilespmem:s6+$0x9030];
	[tilespmem:s5+$0x9010] =	vst v6  }
0x2df: {  	v10 =	vld [tilespmem:s6+$0x9040];
	vm0 =	vgt.s32 v4, $0x0;
	[tilespmem:s5+$0x9020] =	vst v3  }
0x2e0: {  	vm1 =	vgt.s32 v5, $0x0;
	v12 =	vld [tilespmem:s6+$0x9050];
	v3 =	vnsel vm0, $0x0, v4  }
0x2e1: {  	v4 =	vnsel vm1, $0x0, v5;
	vm0 =	vgt.s32 v7, $0x0;
	v13 =	vld [tilespmem:s6+$0x9060];
	v14 =	vmin.u32 v3, $0xFFF  }
0x2e2: {  	v15 =	vmin.u32 v4, $0xFFF;
	v4 =	vnsel vm0, $0x0, v7;
	vm0 =	vgt.s32 v8, $0x0;
	v3 =	vld.idx.msk [tilespmem:v0+s1+$0x0], $0xffff  }
.Ltmp11:
0x2e3: {  	v6 =	vmin.u32 v4, $0xFFF;
	v0 =	vnsel vm0, $0x0, v8;
	vm0 =	vgt.s32 v9, $0x0;
	v4 =	vld.idx.msk [tilespmem:v1+s1+$0x0], $0xffff;
	(pc) =	sbr.rel @p0 .LBB2_24-.Ltmp11, $4  }
0x2e4: {  	v7 =	vmin.u32 v0, $0xFFF;
	v0 =	vnsel vm0, $0x0, v9;
	vm0 =	vgt.s32 v10, $0x0;
	v5 =	vld.idx.msk [tilespmem:v2+s1+$0x0], $0xffff  }
0x2e5: {  	v0 =	vmin.u32 v0, $0xFFF;
	v1 =	vnsel vm0, $0x0, v10;
	vm0 =	vgt.s32 v12, $0x0;
	v8 =	vld.idx.msk [tilespmem:v11+s1+$0x0], $0xffff  }
0x2e6: {  	v1 =	vmin.u32 v1, $0xFFF;
	v2 =	vnsel vm0, $0x0, v12;
	vm0 =	vgt.s32 v13, $0x0;
	v9 =	vld.idx.msk [tilespmem:v14+s1+$0x0], $0xffff  }
0x2e7: {  	s8 =	sadd.s32 $0x400, s8;
	s9 =	sadd.s32 $0x4, s9;
	v10 =	vld.idx.msk [tilespmem:v15+s1+$0x0], $0xffff;
	v2 =	vmin.u32 v2, $0xFFF;
	v11 =	vnsel vm0, $0x0, v13  }
0x2e8: {  	_ =	sdelay $0x2  }
0x2e9: {  	[tilespmem:s5+$0x9030] =	vst v3  }
0x2ea: {  	v3 =	vld.idx.msk [tilespmem:v6+s1+$0x0], $0xffff;
	v6 =	vmin.u32 v11, $0xFFF;
	[tilespmem:s5+$0x9040] =	vst v4  }
0x2eb: {  	v4 =	vld.idx.msk [tilespmem:v7+s1+$0x0], $0xffff;
	[tilespmem:s5+$0x9050] =	vst v5  }
0x2ec: {  	v0 =	vld.idx.msk [tilespmem:v0+s1+$0x0], $0xffff;
	[tilespmem:s5+$0x9060] =	vst v8  }
0x2ed: {  	v1 =	vld.idx.msk [tilespmem:v1+s1+$0x0], $0xffff;
	[tilespmem:s6+$0x9070] =	vst v9  }
0x2ee: {  	v2 =	vld.idx.msk [tilespmem:v2+s1+$0x0], $0xffff;
	[tilespmem:s6+$0x9000] =	vst v10  }
0x2ef: {  	[tilespmem:s6+$0x9010] =	vst v3;
	v3 =	vld.idx.msk [tilespmem:v6+s1+$0x0], $0xffff  }
0x2f0: {  	[tilespmem:s6+$0x9020] =	vst v4  }
0x2f1: {  	[tilespmem:s6+$0x9030] =	vst v0  }
0x2f2: {  	[tilespmem:s6+$0x9040] =	vst v1  }
0x2f3: {  	[tilespmem:s6+$0x9050] =	vst v2  }
0x2f4: {  	s10 =	simm.s32 $0x0;
	[tilespmem:s6+$0x9060] =	vst v3  }
0x2f5: {  	[hbm4b:s26+s10] =	stream.linear.scatter [tilespmem:s21], [sflag:$0x2], $0x8000, $0x38;
	[tilespmem:$0x19000] =	vst v63  }
0x2f6: {  	s11 =	sand.u32 $0x7C00, s10;
	s5 =	sand.u32 $0x380, s10;
	_ =	swait.ge [sflag:s3], $0x8000  }
0x2f7: {  	s8 =	sor.u32 s5, s11;
	[sflag:s3] =	ssyncset.done $0x0  }
0x2f8: {  	s5 =	sadd.s32 $0x11000, s8;
	[sflag:s3] =	ssyncadd.s32 $0xFFFF8000  }
0x2f9: {  	v3 =	vld [tilespmem:s5+$0x20];
	_ =	sdelay $0x1  }
0x2fa: {  	v0 =	vld [tilespmem:s8+$0x11000]  }
0x2fb: {  	v1 =	vld [tilespmem:s5+$0x70]  }
0x2fc: {  	v2 =	vld [tilespmem:s5+$0x10]  }
0x2fd: {  	s12 =	simm.s32 $0x400;
	s7 =	simm.s32 $0x4;
	v4 =	vld [tilespmem:s5+$0x30];
	vm15 =	vgt.s32 v3, $0x0  }
0x2fe: {  	s7 =	sand.u32 $0x380, s7;
	s6 =	sand.u32 $0x7C00, s12;
	v5 =	vld [tilespmem:s5+$0x40];
	v3 =	vnsel vm15, $0x0, v3  }
0x2ff: {  	s7 =	sor.u32 s7, s6;
	v6 =	vld [tilespmem:s5+$0x50];
	v3 =	vmin.u32 v3, $0xFFF  }
0x300: {  	s6 =	sadd.s32 $0x11000, s7;
	v7 =	vld [tilespmem:s5+$0x60]  }
0x301: {  	v8 =	vld [tilespmem:s6+$0x70]  }
0x302: {  	v9 =	vld [tilespmem:s6+$0x10]  }
0x303: {  	v11 =	vld [tilespmem:s6+$0x20];
	vm0 =	vgt.s32 v0, $0x0;
	vm14 =	vgt.s32 v1, $0x0;
	vm1 =	vgt.s32 v2, $0x0  }
0x304: {  	vm4 =	vgt.s32 v4, $0x0;
	vm6 =	vgt.s32 v6, $0x0;
	v0 =	vnsel vm0, $0x0, v0;
	v10 =	vld.idx.msk [tilespmem:v3+s1+$0x0], $0xffff  }
0x305: {  	vm7 =	vgt.s32 v7, $0x0;
	v1 =	vnsel vm14, $0x0, v1;
	v0 =	vmin.u32 v0, $0xFFF;
	v3 =	vld [tilespmem:s7+$0x11000]  }
0x306: {  	v12 =	vld [tilespmem:s6+$0x30];
	v2 =	vnsel vm1, $0x0, v2;
	v6 =	vnsel vm6, $0x0, v6;
	v1 =	vmin.u32 v1, $0xFFF  }
0x307: {  	v15 =	vld [tilespmem:s6+$0x50];
	v2 =	vmin.u32 v2, $0xFFF;
	v13 =	vmin.u32 v6, $0xFFF;
	v6 =	vnsel vm7, $0x0, v7  }
0x308: {  	v17 =	vld [tilespmem:s6+$0x60];
	vm5 =	vgt.s32 v5, $0x0;
	v4 =	vnsel vm4, $0x0, v4;
	v14 =	vmin.u32 v6, $0xFFF  }
0x309: {  	v5 =	vnsel vm5, $0x0, v5;
	v4 =	vmin.u32 v4, $0xFFF;
	v7 =	vld [tilespmem:s6+$0x40]  }
0x30a: {  	v5 =	vmin.u32 v5, $0xFFF;
	v0 =	vld.idx.msk [tilespmem:v0+s1+$0x0], $0xffff;
	vm8 =	vgt.s32 v3, $0x0  }
0x30b: {  	vm9 =	vgt.s32 v8, $0x0;
	v1 =	vld.idx.msk [tilespmem:v1+s1+$0x0], $0xffff;
	v3 =	vnsel vm8, $0x0, v3  }
0x30c: {  	vm10 =	vgt.s32 v9, $0x0;
	v2 =	vld.idx.msk [tilespmem:v2+s1+$0x0], $0xffff;
	v16 =	vmin.u32 v3, $0xFFF;
	v3 =	vnsel vm9, $0x0, v8  }
0x30d: {  	vm11 =	vgt.s32 v11, $0x0;
	v6 =	vnsel vm10, $0x0, v9;
	v9 =	vld.idx.msk [tilespmem:v14+s1+$0x0], $0xffff;
	v18 =	vmin.u32 v3, $0xFFF  }
0x30e: {  	v6 =	vmin.u32 v6, $0xFFF;
	v8 =	vnsel vm11, $0x0, v11;
	v3 =	vld.idx.msk [tilespmem:v4+s1+$0x0], $0xffff  }
0x30f: {  	vm12 =	vgt.s32 v12, $0x0;
	vm14 =	vgt.s32 v15, $0x0;
	[tilespmem:s8+$0x11000] =	vst v0;
	v4 =	vld.idx.msk [tilespmem:v5+s1+$0x0], $0xffff;
	v8 =	vmin.u32 v8, $0xFFF  }
0x310: {  	vm15 =	vgt.s32 v17, $0x0;
	vm13 =	vgt.s32 v7, $0x0;
	v0 =	vnsel vm12, $0x0, v12;
	[tilespmem:s5+$0x70] =	vst v1;
	v5 =	vld.idx.msk [tilespmem:v13+s1+$0x0], $0xffff  }
0x311: {  	v1 =	vnsel vm13, $0x0, v7;
	[tilespmem:s5+$0x10] =	vst v2;
	v0 =	vmin.u32 v0, $0xFFF;
	v11 =	vnsel vm14, $0x0, v15;
	v7 =	vld.idx.msk [tilespmem:v16+s1+$0x0], $0xffff  }
0x312: {  	s9 =	simm.s32 $0x800;
	s10 =	simm.s32 $0x8;
	[tilespmem:s5+$0x20] =	vst v10;
	s8 =	simm.s32 $0x8;
	v2 =	vmin.u32 v1, $0xFFF;
	v1 =	vmin.u32 v11, $0xFFF;
	v11 =	vnsel vm15, $0x0, v17;
	v10 =	vld.idx.msk [tilespmem:v18+s1+$0x0], $0xffff  }
.LBB2_26:
0x313: {  	s11 =	sand.u32 $0x7C00, s9;
	s12 =	sand.u32 $0x380, s10;
	s8 =	sadd.s32 $0x8, s8;
	v6 =	vld.idx.msk [tilespmem:v6+s1+$0x0], $0xffff;
	v11 =	vmin.u32 v11, $0xFFF;
	[tilespmem:s5+$0x30] =	vst v3  }
0x314: {  	s11 =	sor.u32 s12, s11;
	p0 =	slt.u32 s8, $0x7F8;
	v3 =	vld.idx.msk [tilespmem:v8+s1+$0x0], $0xffff;
	[tilespmem:s5+$0x40] =	vst v4  }
0x315: {  	s12 =	sadd.s32 $0x11000, s11;
	v4 =	vld [tilespmem:s11+$0x11000];
	[tilespmem:s5+$0x50] =	vst v5  }
0x316: {  	v5 =	vld [tilespmem:s12+$0x70];
	[tilespmem:s5+$0x60] =	vst v9;
	s5 =	smov.u32 s6;
	s6 =	smov.u32 s12  }
0x317: {  	v8 =	vld [tilespmem:s6+$0x10];
	[tilespmem:s7+$0x11000] =	vst v7;
	s7 =	smov.u32 s11  }
0x318: {  	v7 =	vld [tilespmem:s6+$0x20];
	[tilespmem:s5+$0x70] =	vst v10  }
0x319: {  	v9 =	vld [tilespmem:s6+$0x30];
	[tilespmem:s5+$0x10] =	vst v6  }
0x31a: {  	vm0 =	vgt.s32 v4, $0x0;
	v10 =	vld [tilespmem:s6+$0x40];
	[tilespmem:s5+$0x20] =	vst v3  }
0x31b: {  	v3 =	vnsel vm0, $0x0, v4;
	v12 =	vld [tilespmem:s6+$0x50];
	vm0 =	vgt.s32 v5, $0x0  }
0x31c: {  	v13 =	vmin.u32 v3, $0xFFF;
	vm1 =	vgt.s32 v8, $0x0;
	v14 =	vld [tilespmem:s6+$0x60];
	v3 =	vnsel vm0, $0x0, v5  }
0x31d: {  	v4 =	vnsel vm1, $0x0, v8;
	vm0 =	vgt.s32 v7, $0x0;
	v15 =	vmin.u32 v3, $0xFFF;
	v3 =	vld.idx.msk [tilespmem:v0+s1+$0x0], $0xffff  }
.Ltmp12:
0x31e: {  	v6 =	vmin.u32 v4, $0xFFF;
	v0 =	vnsel vm0, $0x0, v7;
	vm0 =	vgt.s32 v9, $0x0;
	v4 =	vld.idx.msk [tilespmem:v2+s1+$0x0], $0xffff;
	(pc) =	sbr.rel @p0 .LBB2_26-.Ltmp12, $4  }
0x31f: {  	v8 =	vmin.u32 v0, $0xFFF;
	v0 =	vnsel vm0, $0x0, v9;
	vm0 =	vgt.s32 v10, $0x0;
	v5 =	vld.idx.msk [tilespmem:v1+s1+$0x0], $0xffff  }
0x320: {  	v0 =	vmin.u32 v0, $0xFFF;
	v1 =	vnsel vm0, $0x0, v10;
	vm0 =	vgt.s32 v12, $0x0;
	v9 =	vld.idx.msk [tilespmem:v11+s1+$0x0], $0xffff  }
0x321: {  	v7 =	vld.idx.msk [tilespmem:v13+s1+$0x0], $0xffff;
	v2 =	vmin.u32 v1, $0xFFF;
	v1 =	vnsel vm0, $0x0, v12;
	vm0 =	vgt.s32 v14, $0x0  }
0x322: {  	s9 =	sadd.s32 $0x400, s9;
	s10 =	sadd.s32 $0x4, s10;
	v1 =	vmin.u32 v1, $0xFFF;
	v11 =	vnsel vm0, $0x0, v14;
	v10 =	vld.idx.msk [tilespmem:v15+s1+$0x0], $0xffff  }
0x323: {  	_ =	sdelay $0x2  }
0x324: {  	[tilespmem:s5+$0x30] =	vst v3  }
0x325: {  	v60 =	vld.idx.msk [tilespmem:v6+s1+$0x0], $0xffff;
	v61 =	vmin.u32 v11, $0xFFF;
	[tilespmem:s5+$0x40] =	vst v4  }
0x326: {  	v62 =	vld.idx.msk [tilespmem:v8+s1+$0x0], $0xffff;
	[tilespmem:s5+$0x50] =	vst v5  }
0x327: {  	v0 =	vld.idx.msk [tilespmem:v0+s1+$0x0], $0xffff;
	[tilespmem:s5+$0x60] =	vst v9  }
0x328: {  	v2 =	vld.idx.msk [tilespmem:v2+s1+$0x0], $0xffff;
	[tilespmem:s7+$0x11000] =	vst v7  }
0x329: {  	v1 =	vld.idx.msk [tilespmem:v1+s1+$0x0], $0xffff;
	[tilespmem:s6+$0x70] =	vst v10  }
0x32a: {  	[tilespmem:s6+$0x10] =	vst v60;
	v63 =	vld.idx.msk [tilespmem:v61+s1+$0x0], $0xffff  }
0x32b: {  	[tilespmem:s6+$0x20] =	vst v62  }
0x32c: {  	[tilespmem:s6+$0x30] =	vst v0  }
0x32d: {  	[tilespmem:s6+$0x40] =	vst v2  }
0x32e: {  	[tilespmem:s6+$0x50] =	vst v1  }
0x32f: {  	[tilespmem:s6+$0x60] =	vst v63  }
0x330: {  	[hbm4b:s28+s1] =	stream.linear.scatter [tilespmem:s23], [sflag:$0x3], $0x8000, $0x38;
	[tilespmem:$0x19000] =	vst v63  }
0x331: {  	_ =	swait.ge [sflag:s0], $0x8000  }
0x332: {  	[sflag:s0] =	ssyncset.done $0x0  }
0x333: {  	s4 =	sadd.s32 $0x1, s4;
	[sflag:s0] =	ssyncadd.s32 $0xFFFF8000  }
0x334: {  	p0 =	sne.s32 s4, s29;
	_ =	swait.ge [sflag:s2], $0x8000  }
.Ltmp13:
0x335: {  	[sflag:s2] =	ssyncset.done $0x0;
	(pc) =	sbr.rel @p0 .LBB2_1-.Ltmp13, $4  }
0x336: {  	[sflag:s2] =	ssyncadd.s32 $0xFFFF8000  }
0x337: {  	_ =	swait.ge [sflag:s3], $0x8000  }
0x338: {  	[sflag:s3] =	ssyncset.done $0x0  }
0x339: {  	[sflag:s3] =	ssyncadd.s32 $0xFFFF8000  }
0x33a: {  	_ =	sfence.sel $0x180000  }
0x33b: {  	[bflag:$0x0] =	sbarrier.arrive $0xFFFF  }
0x33c: {  	_ =	strace $0x90000047  }
0x33d: {  	s0 =	stileid.u32;
	[bflag:$0x2] =	sbarrier.arrive $0xFFFF  }
0x33e: {  	p0 =	sne.s32 s0, $0x0;
	s0 =	rddreg [dreg:$0x3]  }
0x33f: {  	s0 =	sadd.s32 @!p0 $0x100000, s0  }
0x340: {  	[sflag:s0] =	ssyncadd.tile.s32 @!p0 $0x1;
	_ =	shalt  }
.Lfunc_end2:
_tile_overlayer_lowered:
.L_overlay_start_2:
0x341: {  	(tag) =	ssettag $0x2  }
0x342: {  	s0 =	rddreg [dreg:$0x0];
	s2 =	stileid.u32  }
0x343: {  	s1 =	rddreg [dreg:$0x1];
	p0 =	sne.s32 s2, $0x0  }
0x344: {  	s3 =	rddreg [dreg:$0x2];
	[bflag:$0x3] =	sbarrier.arrive $0xFFFF;
	s2 =	simm.s32 @!p0 $0x1C04  }
0x345: {  	[timem:s3], [sflag:s2] =	dma.local @!p0 [hbm:s0], s1  }
0x346: {  	s0 =	simm.s32 @!p0 $0x4  }
0x347: {  	_ =	swait.ge @!p0 [sflag:s0], s1  }
0x348: {  	s1 =	ssub.s32 @!p0 $0x0, s1;
	[sflag:s0] =	ssyncset.done @!p0 $0x0  }
0x349: {  	[sflag:s0] =	ssyncadd.s32 @!p0 s1  }
0x34a: {  	[bflag:$0x3] =	sbarrier.arrive $0xFFFF  }
0x34b: {  	_ =	shalt  }

</sc_bundles>
